<compile_context>
chip_gen: v7x
topology: tpu7x:2x2x1
jax: 0.10.2.dev20260603
libtpu: 0.0.44.dev20260713+nightly
codegen_flags: <defaults>
</compile_context>

<pallas_src>
import jax
import jax.numpy as jnp
from jax import lax
from jax.experimental import pallas as pl
from jax.experimental.pallas import tpu as pltpu
from jax.experimental.pallas import tpu_sc as plsc

N = 10000
E = 320000
G = 16
DN, DE, DU = 128, 16, 64
OE, ON, OU = 128, 128, 64

NC, NS = 2, 16
HF = OE // NC
EPT = E // NS
CH = 80
MB = 4000
NMB = EPT // MB
MCH = MB // CH
AR = 10112
ACW = HF + 16
RPT = AR // NS
ZR = 80


def _node_pre_body(x_ref, b2_ref, u_ref, we_ref, be_ref, out_ref):
    we = we_ref[...]
    uw = jnp.dot(u_ref[...], we[DN + DE:], preferred_element_type=jnp.float32)
    oh = (b2_ref[...] == lax.broadcasted_iota(jnp.int32, (1, G), 1)
          ).astype(jnp.float32)
    np_full = (jnp.dot(x_ref[...], we[:DN], preferred_element_type=jnp.float32)
               + jnp.dot(oh, uw, preferred_element_type=jnp.float32)
               + be_ref[...])
    out_ref[0] = np_full[:, :HF]
    out_ref[1] = np_full[:, HF:]


def _eat_body(attr_ref, we_ref, out_ref):
    out_ref[...] = jnp.dot(attr_ref[...], we_ref[DN:DN + DE],
                           preferred_element_type=jnp.float32)


def _sc_edge_body(node_pre_hbm, eat_hbm, src_hbm, dst_hbm, batch_hbm,
                  ea_hbm, acc_hbm, gacc_hbm,
                  batch_v, srcall_v, dstall_v,
                  src_v0, src_v1, dst_v0, dst_v1, gdst_v0, gdst_v1,
                  rows_v0, rows_v1, eat_v0, eat_v1, out_v0, out_v1,
                  zrow_v, acc_sh, gacc_sh,
                  sem_g0, sem_g1, sem_e0, sem_e1, sem_o0, sem_o1,
                  sem_a0, sem_a1, sem_ga0, sem_ga1):
    src_v = [src_v0, src_v1]
    dst_v = [dst_v0, dst_v1]
    gdst_v = [gdst_v0, gdst_v1]
    rows_v = [rows_v0, rows_v1]
    eat_v = [eat_v0, eat_v1]
    out_v = [out_v0, out_v1]
    sem_g = [sem_g0, sem_g1]
    sem_e = [sem_e0, sem_e1]
    sem_o = [sem_o0, sem_o1]
    sem_a = [sem_a0, sem_a1]
    sem_ga = [sem_ga0, sem_ga1]
    cid = lax.axis_index("c")
    sid = lax.axis_index("s")

    fz = jnp.zeros((16,), jnp.float32)
    lane = lax.iota(jnp.int32, 16)
    cnt_vec = jnp.where(lane == 0, 1.0, 0.0).astype(jnp.float32)

    def _z1(i, c):
        for j in range(ACW // 16):
            zrow_v[i, pl.ds(j * 16, 16)] = fz
        return c
    lax.fori_loop(0, ZR, _z1, 0)

    zbase = sid * RPT

    def _z2(k, c):
        pltpu.sync_copy(zrow_v, acc_sh.at[pl.ds(zbase + k * ZR, ZR)])
        return c
    lax.fori_loop(0, RPT // ZR, _z2, 0)
    rem = RPT % ZR
    pltpu.sync_copy(zrow_v.at[pl.ds(0, rem)],
                    acc_sh.at[pl.ds(zbase + (RPT // ZR) * ZR, rem)])
    pltpu.sync_copy(zrow_v.at[pl.ds(0, G)], gacc_sh.at[pl.ds(sid * G, G)])

    tbase = pl.multiple_of(sid * EPT, 8)
    pltpu.sync_copy(batch_hbm, batch_v)

    def _cinit(i, c):
        for b in range(2):
            out_v[b][i, pl.ds(HF, 16)] = cnt_vec
        return c
    lax.fori_loop(0, CH, _cinit, 0)
    plsc.subcore_barrier()

    def _stage_in(mbase, t, b):
        toff = t * CH

        def _cp(k, cc):
            src_v[b][pl.ds(k * 16, 16)] = srcall_v[pl.ds(toff + k * 16, 16)]
            return cc
        lax.fori_loop(0, CH // 16, _cp, 0)
        ebase = pl.multiple_of(mbase + t * CH, 8)
        pltpu.async_copy(node_pre_hbm.at[cid].at[src_v[b]], rows_v[b],
                         sem_g[b])
        pltpu.async_copy(eat_hbm.at[pl.ds(ebase, CH), pl.ds(cid * HF, HF)],
                         eat_v[b], sem_e[b])

    def _step(mbase, t, b):
        nb = 1 - b
        ebase = pl.multiple_of(mbase + t * CH, 8)
        pltpu.make_async_copy(node_pre_hbm.at[cid].at[src_v[b]],
                              rows_v[b], sem_g[b]).wait()
        pltpu.make_async_copy(
            eat_hbm.at[pl.ds(ebase, CH), pl.ds(cid * HF, HF)],
            eat_v[b], sem_e[b]).wait()

        @pl.when(t + 1 < MCH)
        def _():
            _stage_in(mbase, t + 1, nb)

        @pl.when(t >= 2)
        def _():
            eb2 = pl.multiple_of(mbase + (t - 2) * CH, 8)
            pltpu.make_async_copy(
                out_v[b].at[:, pl.ds(0, HF)],
                ea_hbm.at[pl.ds(eb2, CH), pl.ds(cid * HF, HF)],
                sem_o[b]).wait()
            pltpu.make_async_copy(out_v[b], acc_sh.at[dst_v[b]],
                                  sem_a[b]).wait()
            pltpu.make_async_copy(out_v[b], gacc_sh.at[gdst_v[b]],
                                  sem_ga[b]).wait()

        toff = t * CH

        def _cpd(k, cc):
            dv = dstall_v[pl.ds(toff + k * 16, 16)]
            dst_v[b][pl.ds(k * 16, 16)] = dv
            sv = src_v[b][pl.ds(k * 16, 16)]
            gv = plsc.load_gather(batch_v, [sv])
            gdst_v[b][pl.ds(k * 16, 16)] = gv + sid * G
            return cc
        lax.fori_loop(0, CH // 16, _cpd, 0)

        def _row(q, cc):
            for r in range(2):
                i = 2 * q + r
                for j in range(HF // 16):
                    v = (rows_v[b][i, pl.ds(j * 16, 16)]
                         + eat_v[b][i, pl.ds(j * 16, 16)])
                    out_v[b][i, pl.ds(j * 16, 16)] = jnp.maximum(v, 0.0)
            return cc
        lax.fori_loop(0, CH // 2, _row, 0)

        pltpu.async_copy(out_v[b].at[:, pl.ds(0, HF)],
                         ea_hbm.at[pl.ds(ebase, CH), pl.ds(cid * HF, HF)],
                         sem_o[b])
        pltpu.async_copy(out_v[b], acc_sh.at[dst_v[b]], sem_a[b], add=True)
        pltpu.async_copy(out_v[b], gacc_sh.at[gdst_v[b]], sem_ga[b], add=True)

    def _meta(m, c):
        mbase = pl.multiple_of(tbase + m * MB, 8)
        pltpu.sync_copy(src_hbm.at[pl.ds(mbase, MB)], srcall_v)
        pltpu.sync_copy(dst_hbm.at[pl.ds(mbase, MB)], dstall_v)
        _stage_in(mbase, 0, 0)

        def _pair(k, cc):
            _step(mbase, 2 * k, 0)
            _step(mbase, 2 * k + 1, 1)
            return cc
        lax.fori_loop(0, MCH // 2, _pair, 0)
        for (tt, bb) in ((MCH - 2, 0), (MCH - 1, 1)):
            ebt = pl.multiple_of(mbase + tt * CH, 8)
            pltpu.make_async_copy(
                out_v[bb].at[:, pl.ds(0, HF)],
                ea_hbm.at[pl.ds(ebt, CH), pl.ds(cid * HF, HF)],
                sem_o[bb]).wait()
            pltpu.make_async_copy(out_v[bb], acc_sh.at[dst_v[bb]],
                                  sem_a[bb]).wait()
            pltpu.make_async_copy(out_v[bb], gacc_sh.at[gdst_v[bb]],
                                  sem_ga[bb]).wait()
        return c

    lax.fori_loop(0, NMB, _meta, 0)

    plsc.subcore_barrier()
    pltpu.sync_copy(acc_sh.at[pl.ds(sid * RPT, RPT)],
                    acc_hbm.at[cid, pl.ds(sid * RPT, RPT)])
    pltpu.sync_copy(gacc_sh.at[pl.ds(sid * G, G)],
                    gacc_hbm.at[cid, pl.ds(sid * G, G)])


def _build_sc_edge():
    mesh = plsc.VectorSubcoreMesh(core_axis_name="c", subcore_axis_name="s")
    return pl.kernel(
        _sc_edge_body,
        out_type=(
            jax.ShapeDtypeStruct((E, OE), jnp.float32),
            jax.ShapeDtypeStruct((NC, AR, ACW), jnp.float32),
            jax.ShapeDtypeStruct((NC, NS * G, ACW), jnp.float32),
        ),
        mesh=mesh,
        compiler_params=pltpu.CompilerParams(use_tc_tiling_on_sc=False,
                                             needs_layout_passes=False),
        scratch_types=(
            [
                pltpu.VMEM((N,), jnp.int32),
                pltpu.VMEM((MB,), jnp.int32),
                pltpu.VMEM((MB,), jnp.int32),
            ]
            + [pltpu.VMEM((CH,), jnp.int32)] * 6
            + [pltpu.VMEM((CH, HF), jnp.float32)] * 4
            + [pltpu.VMEM((CH, ACW), jnp.float32)] * 2
            + [
                pltpu.VMEM((ZR, ACW), jnp.float32),
                pltpu.VMEM_SHARED((AR, ACW), jnp.float32),
                pltpu.VMEM_SHARED((NS * G, ACW), jnp.float32),
            ]
            + [pltpu.SemaphoreType.DMA] * 10
        ),
    )


def _final_body(x_ref, b2_ref, u_ref, acc0_ref, acc1_ref,
                gacc0_ref, gacc1_ref,
                wn_ref, bn_ref, wg_ref, bg_ref, xn_ref, un_ref):
    acc0 = acc0_ref[...]
    acc1 = acc1_ref[...]
    node_cnt = jnp.maximum(acc0[:N, HF:HF + 1], 1.0)
    msg0 = acc0[:N, :HF] / node_cnt
    msg1 = acc1[:N, :HF] / node_cnt

    wn = wn_ref[...]
    u_full = u_ref[...]
    uwn = jnp.dot(u_full, wn[DN + OE:], preferred_element_type=jnp.float32)
    oh = (b2_ref[...] == lax.broadcasted_iota(jnp.int32, (1, G), 1)
          ).astype(jnp.float32)
    xn = (jnp.dot(x_ref[...], wn[:DN], preferred_element_type=jnp.float32)
          + jnp.dot(msg0, wn[DN:DN + HF], preferred_element_type=jnp.float32)
          + jnp.dot(msg1, wn[DN + HF:DN + OE],
                    preferred_element_type=jnp.float32)
          + jnp.dot(oh, uwn, preferred_element_type=jnp.float32)
          + bn_ref[...])
    xn = jnp.maximum(xn, 0.0)
    xn_ref[...] = xn

    gsum = lax.dot_general(oh, xn, (((0,), (0,)), ((), ())),
                           preferred_element_type=jnp.float32)
    gcnt = lax.dot_general(oh, jnp.ones((N, 1), jnp.float32),
                           (((0,), (0,)), ((), ())),
                           preferred_element_type=jnp.float32)
    x_global = gsum / jnp.maximum(gcnt, 1.0)

    ga0 = gacc0_ref[...]
    ga1 = gacc1_ref[...]
    gs0 = ga0[0:G]
    gs1 = ga1[0:G]
    for s in range(1, NS):
        gs0 = gs0 + ga0[s * G:(s + 1) * G]
        gs1 = gs1 + ga1[s * G:(s + 1) * G]
    ecnt = jnp.maximum(gs0[:, HF:HF + 1], 1.0)
    eg0 = gs0[:, :HF] / ecnt
    eg1 = gs1[:, :HF] / ecnt

    wg = wg_ref[...]
    un = (jnp.dot(eg0, wg[:HF], preferred_element_type=jnp.float32)
          + jnp.dot(eg1, wg[HF:OE], preferred_element_type=jnp.float32)
          + jnp.dot(x_global, wg[OE:OE + ON], preferred_element_type=jnp.float32)
          + jnp.dot(u_full, wg[ON + OE:], preferred_element_type=jnp.float32)
          + bg_ref[...])
    un_ref[...] = jnp.maximum(un, 0.0)


@jax.jit
def kernel(x, edge_attr, edge_index, u, batch, W_e, b_e, W_n, b_n, W_g, b_g):
    batch2d = batch.reshape(N, 1)
    src = edge_index[0]
    dst = edge_index[1]

    node_pre = pl.pallas_call(
        _node_pre_body,
        out_shape=jax.ShapeDtypeStruct((NC, N, HF), jnp.float32),
    )(x, batch2d, u, W_e, b_e)

    BE = 8000
    eat = pl.pallas_call(
        _eat_body,
        grid=(E // BE,),
        in_specs=[
            pl.BlockSpec((BE, DE), lambda i: (i, 0)),
            pl.BlockSpec((DN + DE + DU, OE), lambda i: (0, 0)),
        ],
        out_specs=pl.BlockSpec((BE, OE), lambda i: (i, 0)),
        out_shape=jax.ShapeDtypeStruct((E, OE), jnp.float32),
    )(edge_attr, W_e)

    ea, acc, gacc = _build_sc_edge()(node_pre, eat, src, dst, batch)

    xn, un = pl.pallas_call(
        _final_body,
        out_shape=(
            jax.ShapeDtypeStruct((N, ON), jnp.float32),
            jax.ShapeDtypeStruct((G, OU), jnp.float32),
        ),
    )(x, batch2d, u, acc[0], acc[1], gacc[0], gacc[1], W_n, b_n, W_g, b_g)

    return (xn, ea, edge_index, un, batch)

# --- scband reference (transcript-rebuilt; emitter-appended) ---
"""Pipeline reference for scband-message-passing-42554535969391 (READ-ONLY COPY).

The authoritative reference and input builder live on the scoring server;
editing this copy changes nothing except your own understanding.
"""

import jax, jax.numpy as jnp
import numpy as np

N = 10000
E = 320000
G = 16
DN, DE, DU = 128, 16, 64
OE, ON, OU = 128, 128, 64


def setup_inputs(seed: int = 0) -> dict:
    key = jax.random.key(seed)
    ks = jax.random.split(key, 12)
    x = jax.random.normal(ks[0], (N, DN), dtype=jnp.float32)
    edge_attr = jax.random.normal(ks[1], (E, DE), dtype=jnp.float32)
    edge_index = jax.random.randint(ks[2], (2, E), 0, N)
    u = jax.random.normal(ks[3], (G, DU), dtype=jnp.float32)
    batch = jnp.sort(jax.random.randint(ks[4], (N,), 0, G))
    W_e = jax.random.normal(ks[5], (DN + DE + DU, OE), dtype=jnp.float32) * 0.05
    b_e = jnp.zeros((OE,), dtype=jnp.float32)
    W_n = jax.random.normal(ks[6], (DN + OE + DU, ON), dtype=jnp.float32) * 0.05
    b_n = jnp.zeros((ON,), dtype=jnp.float32)
    W_g = jax.random.normal(ks[7], (ON + OE + DU, OU), dtype=jnp.float32) * 0.05
    b_g = jnp.zeros((OU,), dtype=jnp.float32)
    return {"x": x, "edge_attr": edge_attr, "edge_index": edge_index, "u": u, "batch": batch,
            "W_e": W_e, "b_e": b_e, "W_n": W_n, "b_n": b_n, "W_g": W_g, "b_g": b_g}


def _scatter_mean(data, idx, size):
    s = jax.ops.segment_sum(data, idx, num_segments=size)
    c = jax.ops.segment_sum(jnp.ones((data.shape[0],), dtype=data.dtype), idx, num_segments=size)
    return s / jnp.maximum(c, 1.0)[:, None]


def reference(x, edge_attr, edge_index, u, batch, W_e, b_e, W_n, b_n, W_g, b_g):
    src = edge_index[0]
    dst = edge_index[1]
    x_src = x[src]
    u_src = u[batch[src]]
    ea = jnp.concatenate((x_src, edge_attr, u_src), axis=1)
    ea = jax.nn.relu(ea @ W_e + b_e)
    msg_to_node = _scatter_mean(ea, dst, x.shape[0])
    u_to_node = u[batch]
    xn = jnp.concatenate((x, msg_to_node, u_to_node), axis=1)
    xn = jax.nn.relu(xn @ W_n + b_n)
    edge_global = _scatter_mean(ea, batch[src], u.shape[0])
    x_global = _scatter_mean(xn, batch, u.shape[0])
    un = jnp.concatenate((edge_global, x_global, u), axis=1)
    un = jax.nn.relu(un @ W_g + b_g)
    return (xn, ea, edge_index, un, batch)

if __name__ == "__main__":
    import jax
    _d = setup_inputs()
    print(jax.jit(kernel)(*tuple(_d.values())))

</pallas_src>

<mosaic_0001>
#map = affine_map<(d0, d1) -> (0, 0, 0)>
#map1 = affine_map<(d0, d1) -> (0, 0)>
#map2 = affine_map<(d0, d1) -> (0)>
module attributes {stable_mosaic.version = 14 : i64} {
  func.func @_sc_edge_body(%arg0: i32, %arg1: i32, %arg2: memref<2x10000x64xf32, #tpu.memory_space<hbm>>, %arg3: memref<320000x128xf32, #tpu.memory_space<hbm>>, %arg4: memref<320000xi32, #tpu.memory_space<hbm>>, %arg5: memref<320000xi32, #tpu.memory_space<hbm>>, %arg6: memref<10000xi32, #tpu.memory_space<hbm>>, %arg7: memref<320000x128xf32, #tpu.memory_space<hbm>>, %arg8: memref<2x10112x80xf32, #tpu.memory_space<hbm>>, %arg9: memref<2x256x80xf32, #tpu.memory_space<hbm>>, %arg10: memref<10000xi32, #tpu.memory_space<vmem>>, %arg11: memref<4000xi32, #tpu.memory_space<vmem>>, %arg12: memref<4000xi32, #tpu.memory_space<vmem>>, %arg13: memref<80xi32, #tpu.memory_space<vmem>>, %arg14: memref<80xi32, #tpu.memory_space<vmem>>, %arg15: memref<80xi32, #tpu.memory_space<vmem>>, %arg16: memref<80xi32, #tpu.memory_space<vmem>>, %arg17: memref<80xi32, #tpu.memory_space<vmem>>, %arg18: memref<80xi32, #tpu.memory_space<vmem>>, %arg19: memref<80x64xf32, #tpu.memory_space<vmem>>, %arg20: memref<80x64xf32, #tpu.memory_space<vmem>>, %arg21: memref<80x64xf32, #tpu.memory_space<vmem>>, %arg22: memref<80x64xf32, #tpu.memory_space<vmem>>, %arg23: memref<80x80xf32, #tpu.memory_space<vmem>>, %arg24: memref<80x80xf32, #tpu.memory_space<vmem>>, %arg25: memref<80x80xf32, #tpu.memory_space<vmem>>, %arg26: memref<10112x80xf32, #tpu.memory_space<vmem_shared>>, %arg27: memref<256x80xf32, #tpu.memory_space<vmem_shared>>, %arg28: memref<!tpu.dma_semaphore, #tpu.memory_space<semaphore_mem>>, %arg29: memref<!tpu.dma_semaphore, #tpu.memory_space<semaphore_mem>>, %arg30: memref<!tpu.dma_semaphore, #tpu.memory_space<semaphore_mem>>, %arg31: memref<!tpu.dma_semaphore, #tpu.memory_space<semaphore_mem>>, %arg32: memref<!tpu.dma_semaphore, #tpu.memory_space<semaphore_mem>>, %arg33: memref<!tpu.dma_semaphore, #tpu.memory_space<semaphore_mem>>, %arg34: memref<!tpu.dma_semaphore, #tpu.memory_space<semaphore_mem>>, %arg35: memref<!tpu.dma_semaphore, #tpu.memory_space<semaphore_mem>>, %arg36: memref<!tpu.dma_semaphore, #tpu.memory_space<semaphore_mem>>, %arg37: memref<!tpu.dma_semaphore, #tpu.memory_space<semaphore_mem>>) attributes {dimension_semantics = [#tpu.dimension_semantics<core_parallel>, #tpu.dimension_semantics<subcore_parallel>], iteration_bounds = array<i64: 2, 16>, scalar_prefetch = 0 : i64, scratch_operands = 28 : i64, tpu.core_type = #tpu.core_type<sc_vector_subcore>, window_params = [{transform_indices = #map}, {transform_indices = #map1}, {transform_indices = #map2}, {transform_indices = #map2}, {transform_indices = #map2}, {transform_indices = #map1}, {transform_indices = #map}, {transform_indices = #map}]} {
    %broadcast_in_dim3A = arith.constant 0.000000e+00 : f32
    %broadcast_in_dim3A_0 = vector.broadcast %broadcast_in_dim3A : f32 to vector<16xf32>
    %iota3A = tpu.iota {dimensions = array<i32: 0>} : vector<16xi32>
    %eq3A = arith.constant 0 : i32
    %eq3A_1 = vector.broadcast %eq3A : i32 to vector<16xi32>
    %eq3A_2 = arith.cmpi eq, %iota3A, %eq3A_1 : vector<16xi32>
    %jit3A = arith.constant 1.000000e+00 : f32
    %jit3A_3 = arith.constant 0.000000e+00 : f32
    %broadcast_in_dim3A_4 = vector.broadcast %jit3A : f32 to vector<16xf32>
    %broadcast_in_dim3A_5 = vector.broadcast %jit3A_3 : f32 to vector<16xf32>
    %select_n3A = arith.select %eq3A_2, %broadcast_in_dim3A_4, %broadcast_in_dim3A_5 : vector<16xi1>, vector<16xf32>
    %scan3A = arith.constant 0 : i32
    %scan3A_6 = arith.constant 0 : i32
    %scan3A_7 = arith.constant 80 : i32
    %scan3A_8 = arith.addi %scan3A_6, %scan3A_7 : i32
    %scan3A_9 = arith.constant 1 : i32
    scf.for %scan3A_44 = %scan3A_6 to %scan3A_8 step %scan3A_9  : i32 {
      %swap3A = arith.index_cast %scan3A_44 : i32 to index
      %swap3A_45 = arith.constant 0 : index
      %swap3A_46 = tpu.vector_load %arg25[%swap3A, %swap3A_45] {strides = array<i32>} : memref<80x80xf32, #tpu.memory_space<vmem>>, vector<16xf32>,
      tpu.vector_store %arg25[%swap3A, %swap3A_45], %broadcast_in_dim3A_0 {strides = array<i32>} : memref<80x80xf32, #tpu.memory_space<vmem>>, vector<16xf32>,
      %swap3A_47 = arith.index_cast %scan3A_44 : i32 to index
      %swap3A_48 = arith.constant 16 : index
      %swap3A_49 = tpu.vector_load %arg25[%swap3A_47, %swap3A_48] {strides = array<i32>} : memref<80x80xf32, #tpu.memory_space<vmem>>, vector<16xf32>,
      tpu.vector_store %arg25[%swap3A_47, %swap3A_48], %broadcast_in_dim3A_0 {strides = array<i32>} : memref<80x80xf32, #tpu.memory_space<vmem>>, vector<16xf32>,
      %swap3A_50 = arith.index_cast %scan3A_44 : i32 to index
      %swap3A_51 = arith.constant 32 : index
      %swap3A_52 = tpu.vector_load %arg25[%swap3A_50, %swap3A_51] {strides = array<i32>} : memref<80x80xf32, #tpu.memory_space<vmem>>, vector<16xf32>,
      tpu.vector_store %arg25[%swap3A_50, %swap3A_51], %broadcast_in_dim3A_0 {strides = array<i32>} : memref<80x80xf32, #tpu.memory_space<vmem>>, vector<16xf32>,
      %swap3A_53 = arith.index_cast %scan3A_44 : i32 to index
      %swap3A_54 = arith.constant 48 : index
      %swap3A_55 = tpu.vector_load %arg25[%swap3A_53, %swap3A_54] {strides = array<i32>} : memref<80x80xf32, #tpu.memory_space<vmem>>, vector<16xf32>,
      tpu.vector_store %arg25[%swap3A_53, %swap3A_54], %broadcast_in_dim3A_0 {strides = array<i32>} : memref<80x80xf32, #tpu.memory_space<vmem>>, vector<16xf32>,
      %swap3A_56 = arith.index_cast %scan3A_44 : i32 to index
      %swap3A_57 = arith.constant 64 : index
      %swap3A_58 = tpu.vector_load %arg25[%swap3A_56, %swap3A_57] {strides = array<i32>} : memref<80x80xf32, #tpu.memory_space<vmem>>, vector<16xf32>,
      tpu.vector_store %arg25[%swap3A_56, %swap3A_57], %broadcast_in_dim3A_0 {strides = array<i32>} : memref<80x80xf32, #tpu.memory_space<vmem>>, vector<16xf32>,
    }
    %scan3A_10 = arith.constant 80 : i32
    %mul3A = arith.constant 632 : i32
    %mul3A_11 = arith.muli %arg1, %mul3A : i32
    %scan3A_12 = arith.constant 0 : i32
    %scan3A_13 = arith.constant 0 : i32
    %scan3A_14 = arith.constant 7 : i32
    %scan3A_15 = arith.addi %scan3A_13, %scan3A_14 : i32
    %scan3A_16 = arith.constant 1 : i32
    scf.for %scan3A_44 = %scan3A_13 to %scan3A_15 step %scan3A_16  : i32 {
      %mul3A_45 = arith.constant 80 : i32
      %mul3A_46 = arith.muli %scan3A_44, %mul3A_45 : i32
      %add3A_47 = arith.addi %mul3A_11, %mul3A_46 : i32
      "tpu.region"() ({
        %run_scoped3A = tpu.sem_alloc : memref<!tpu.dma_semaphore, #tpu.memory_space<semaphore_mem>>
        %dma_start3A = arith.constant 0 : i32
        %dma_start3A_48 = tpu.memref_slice %arg26[%add3A_47, %dma_start3A] : memref<10112x80xf32, #tpu.memory_space<vmem_shared>> -> memref<80x80xf32, #tpu.memory_space<vmem_shared>>
        %dma_start3A_49 = arith.constant 0 : i32
        %dma_start3A_50 = tpu.memref_slice %arg26[%add3A_47, %dma_start3A_49] : memref<10112x80xf32, #tpu.memory_space<vmem_shared>> -> memref<80x80xf32, #tpu.memory_space<vmem_shared>>
        tpu.enqueue_dma source(%arg25 : memref<80x80xf32, #tpu.memory_space<vmem>>) target(%dma_start3A_50 : memref<80x80xf32, #tpu.memory_space<vmem_shared>>) target_semaphore(%run_scoped3A : memref<!tpu.dma_semaphore, #tpu.memory_space<semaphore_mem>>)
        %dma_wait3A = arith.constant 0 : i32
        %dma_wait3A_51 = tpu.memref_slice %arg26[%add3A_47, %dma_wait3A] : memref<10112x80xf32, #tpu.memory_space<vmem_shared>> -> memref<80x80xf32, #tpu.memory_space<vmem_shared>>
        %dma_wait3A_52 = arith.constant 0 : i32
        %dma_wait3A_53 = tpu.memref_slice %arg26[%add3A_47, %dma_wait3A_52] : memref<10112x80xf32, #tpu.memory_space<vmem_shared>> -> memref<80x80xf32, #tpu.memory_space<vmem_shared>>
        tpu.wait_dma2 semaphore(%run_scoped3A : memref<!tpu.dma_semaphore, #tpu.memory_space<semaphore_mem>>) src(%arg25 : memref<80x80xf32, #tpu.memory_space<vmem>>) dst(%dma_wait3A_53 : memref<80x80xf32, #tpu.memory_space<vmem_shared>>)
        tpu.yield
      }) : () -> ()
    }
    %scan3A_17 = arith.constant 7 : i32
    %add3A = arith.constant 560 : i32
    %add3A_18 = arith.addi %mul3A_11, %add3A : i32
    "tpu.region"() ({
      %run_scoped3A = tpu.sem_alloc : memref<!tpu.dma_semaphore, #tpu.memory_space<semaphore_mem>>
      %dma_start3A = arith.constant 0 : i32
      %dma_start3A_44 = arith.constant 0 : i32
      %dma_start3A_45 = tpu.memref_slice %arg25[%dma_start3A, %dma_start3A_44] : memref<80x80xf32, #tpu.memory_space<vmem>> -> memref<72x80xf32, #tpu.memory_space<vmem>>
      %dma_start3A_46 = arith.constant 0 : i32
      %dma_start3A_47 = tpu.memref_slice %arg26[%add3A_18, %dma_start3A_46] : memref<10112x80xf32, #tpu.memory_space<vmem_shared>> -> memref<72x80xf32, #tpu.memory_space<vmem_shared>>
      %dma_start3A_48 = arith.constant 0 : i32
      %dma_start3A_49 = tpu.memref_slice %arg26[%add3A_18, %dma_start3A_48] : memref<10112x80xf32, #tpu.memory_space<vmem_shared>> -> memref<72x80xf32, #tpu.memory_space<vmem_shared>>
      %dma_start3A_50 = arith.constant 0 : i32
      %dma_start3A_51 = arith.constant 0 : i32
      %dma_start3A_52 = tpu.memref_slice %arg25[%dma_start3A_50, %dma_start3A_51] : memref<80x80xf32, #tpu.memory_space<vmem>> -> memref<72x80xf32, #tpu.memory_space<vmem>>
      tpu.enqueue_dma source(%dma_start3A_52 : memref<72x80xf32, #tpu.memory_space<vmem>>) target(%dma_start3A_49 : memref<72x80xf32, #tpu.memory_space<vmem_shared>>) target_semaphore(%run_scoped3A : memref<!tpu.dma_semaphore, #tpu.memory_space<semaphore_mem>>)
      %dma_wait3A = arith.constant 0 : i32
      %dma_wait3A_53 = arith.constant 0 : i32
      %dma_wait3A_54 = tpu.memref_slice %arg25[%dma_wait3A, %dma_wait3A_53] : memref<80x80xf32, #tpu.memory_space<vmem>> -> memref<72x80xf32, #tpu.memory_space<vmem>>
      %dma_wait3A_55 = arith.constant 0 : i32
      %dma_wait3A_56 = tpu.memref_slice %arg26[%add3A_18, %dma_wait3A_55] : memref<10112x80xf32, #tpu.memory_space<vmem_shared>> -> memref<72x80xf32, #tpu.memory_space<vmem_shared>>
      %dma_wait3A_57 = arith.constant 0 : i32
      %dma_wait3A_58 = tpu.memref_slice %arg26[%add3A_18, %dma_wait3A_57] : memref<10112x80xf32, #tpu.memory_space<vmem_shared>> -> memref<72x80xf32, #tpu.memory_space<vmem_shared>>
      %dma_wait3A_59 = arith.constant 0 : i32
      %dma_wait3A_60 = arith.constant 0 : i32
      %dma_wait3A_61 = tpu.memref_slice %arg25[%dma_wait3A_59, %dma_wait3A_60] : memref<80x80xf32, #tpu.memory_space<vmem>> -> memref<72x80xf32, #tpu.memory_space<vmem>>
      tpu.wait_dma2 semaphore(%run_scoped3A : memref<!tpu.dma_semaphore, #tpu.memory_space<semaphore_mem>>) src(%dma_wait3A_61 : memref<72x80xf32, #tpu.memory_space<vmem>>) dst(%dma_wait3A_58 : memref<72x80xf32, #tpu.memory_space<vmem_shared>>)
      tpu.yield
    }) : () -> ()
    %mul3A_19 = arith.constant 16 : i32
    %mul3A_20 = arith.muli %arg1, %mul3A_19 : i32
    "tpu.region"() ({
      %run_scoped3A = tpu.sem_alloc : memref<!tpu.dma_semaphore, #tpu.memory_space<semaphore_mem>>
      %dma_start3A = arith.constant 0 : i32
      %dma_start3A_44 = arith.constant 0 : i32
      %dma_start3A_45 = tpu.memref_slice %arg25[%dma_start3A, %dma_start3A_44] : memref<80x80xf32, #tpu.memory_space<vmem>> -> memref<16x80xf32, #tpu.memory_space<vmem>>
      %dma_start3A_46 = arith.constant 0 : i32
      %dma_start3A_47 = tpu.memref_slice %arg27[%mul3A_20, %dma_start3A_46] : memref<256x80xf32, #tpu.memory_space<vmem_shared>> -> memref<16x80xf32, #tpu.memory_space<vmem_shared>>
      %dma_start3A_48 = arith.constant 0 : i32
      %dma_start3A_49 = tpu.memref_slice %arg27[%mul3A_20, %dma_start3A_48] : memref<256x80xf32, #tpu.memory_space<vmem_shared>> -> memref<16x80xf32, #tpu.memory_space<vmem_shared>>
      %dma_start3A_50 = arith.constant 0 : i32
      %dma_start3A_51 = arith.constant 0 : i32
      %dma_start3A_52 = tpu.memref_slice %arg25[%dma_start3A_50, %dma_start3A_51] : memref<80x80xf32, #tpu.memory_space<vmem>> -> memref<16x80xf32, #tpu.memory_space<vmem>>
      tpu.enqueue_dma source(%dma_start3A_52 : memref<16x80xf32, #tpu.memory_space<vmem>>) target(%dma_start3A_49 : memref<16x80xf32, #tpu.memory_space<vmem_shared>>) target_semaphore(%run_scoped3A : memref<!tpu.dma_semaphore, #tpu.memory_space<semaphore_mem>>)
      %dma_wait3A = arith.constant 0 : i32
      %dma_wait3A_53 = arith.constant 0 : i32
      %dma_wait3A_54 = tpu.memref_slice %arg25[%dma_wait3A, %dma_wait3A_53] : memref<80x80xf32, #tpu.memory_space<vmem>> -> memref<16x80xf32, #tpu.memory_space<vmem>>
      %dma_wait3A_55 = arith.constant 0 : i32
      %dma_wait3A_56 = tpu.memref_slice %arg27[%mul3A_20, %dma_wait3A_55] : memref<256x80xf32, #tpu.memory_space<vmem_shared>> -> memref<16x80xf32, #tpu.memory_space<vmem_shared>>
      %dma_wait3A_57 = arith.constant 0 : i32
      %dma_wait3A_58 = tpu.memref_slice %arg27[%mul3A_20, %dma_wait3A_57] : memref<256x80xf32, #tpu.memory_space<vmem_shared>> -> memref<16x80xf32, #tpu.memory_space<vmem_shared>>
      %dma_wait3A_59 = arith.constant 0 : i32
      %dma_wait3A_60 = arith.constant 0 : i32
      %dma_wait3A_61 = tpu.memref_slice %arg25[%dma_wait3A_59, %dma_wait3A_60] : memref<80x80xf32, #tpu.memory_space<vmem>> -> memref<16x80xf32, #tpu.memory_space<vmem>>
      tpu.wait_dma2 semaphore(%run_scoped3A : memref<!tpu.dma_semaphore, #tpu.memory_space<semaphore_mem>>) src(%dma_wait3A_61 : memref<16x80xf32, #tpu.memory_space<vmem>>) dst(%dma_wait3A_58 : memref<16x80xf32, #tpu.memory_space<vmem_shared>>)
      tpu.yield
    }) : () -> ()
    %mul3A_21 = arith.constant 20000 : i32
    %mul3A_22 = arith.muli %arg1, %mul3A_21 : i32
    %multiple_of3A = tpu.assume_multiple %mul3A_22, 8 : i32
    "tpu.region"() ({
      %run_scoped3A = tpu.sem_alloc : memref<!tpu.dma_semaphore, #tpu.memory_space<semaphore_mem>>
      tpu.enqueue_dma source(%arg6 : memref<10000xi32, #tpu.memory_space<hbm>>) target(%arg10 : memref<10000xi32, #tpu.memory_space<vmem>>) target_semaphore(%run_scoped3A : memref<!tpu.dma_semaphore, #tpu.memory_space<semaphore_mem>>)
      tpu.wait_dma2 semaphore(%run_scoped3A : memref<!tpu.dma_semaphore, #tpu.memory_space<semaphore_mem>>) src(%arg6 : memref<10000xi32, #tpu.memory_space<hbm>>) dst(%arg10 : memref<10000xi32, #tpu.memory_space<vmem>>)
      tpu.yield
    }) : () -> ()
    %scan3A_23 = arith.constant 0 : i32
    %scan3A_24 = arith.constant 0 : i32
    %scan3A_25 = arith.constant 80 : i32
    %scan3A_26 = arith.addi %scan3A_24, %scan3A_25 : i32
    %scan3A_27 = arith.constant 1 : i32
    scf.for %scan3A_44 = %scan3A_24 to %scan3A_26 step %scan3A_27  : i32 {
      %swap3A = arith.index_cast %scan3A_44 : i32 to index
      %swap3A_45 = arith.constant 64 : index
      %swap3A_46 = tpu.vector_load %arg23[%swap3A, %swap3A_45] {strides = array<i32>} : memref<80x80xf32, #tpu.memory_space<vmem>>, vector<16xf32>,
      tpu.vector_store %arg23[%swap3A, %swap3A_45], %select_n3A {strides = array<i32>} : memref<80x80xf32, #tpu.memory_space<vmem>>, vector<16xf32>,
      %swap3A_47 = arith.index_cast %scan3A_44 : i32 to index
      %swap3A_48 = arith.constant 64 : index
      %swap3A_49 = tpu.vector_load %arg24[%swap3A_47, %swap3A_48] {strides = array<i32>} : memref<80x80xf32, #tpu.memory_space<vmem>>, vector<16xf32>,
      tpu.vector_store %arg24[%swap3A_47, %swap3A_48], %select_n3A {strides = array<i32>} : memref<80x80xf32, #tpu.memory_space<vmem>>, vector<16xf32>,
    }
    %scan3A_28 = arith.constant 80 : i32
    %barrier3A = arith.constant 0 : index
    tpu.barrier barrier_id(%barrier3A)
    %scan3A_29 = arith.constant 0 : i32
    %scan3A_30 = arith.constant 0 : i32
    %scan3A_31 = arith.constant 5 : i32
    %scan3A_32 = arith.addi %scan3A_30, %scan3A_31 : i32
    %scan3A_33 = arith.constant 1 : i32
    scf.for %scan3A_44 = %scan3A_30 to %scan3A_32 step %scan3A_33  : i32 {
      %mul3A_45 = arith.constant 4000 : i32
      %mul3A_46 = arith.muli %scan3A_44, %mul3A_45 : i32
      %add3A_47 = arith.addi %multiple_of3A, %mul3A_46 : i32
      %multiple_of3A_48 = tpu.assume_multiple %add3A_47, 8 : i32
      "tpu.region"() ({
        %run_scoped3A = tpu.sem_alloc : memref<!tpu.dma_semaphore, #tpu.memory_space<semaphore_mem>>
        %dma_start3A_111 = tpu.memref_slice %arg4[%multiple_of3A_48] : memref<320000xi32, #tpu.memory_space<hbm>> -> memref<4000xi32, #tpu.memory_space<hbm>>
        %dma_start3A_112 = tpu.memref_slice %arg4[%multiple_of3A_48] : memref<320000xi32, #tpu.memory_space<hbm>> -> memref<4000xi32, #tpu.memory_space<hbm>>
        tpu.enqueue_dma source(%dma_start3A_112 : memref<4000xi32, #tpu.memory_space<hbm>>) target(%arg11 : memref<4000xi32, #tpu.memory_space<vmem>>) target_semaphore(%run_scoped3A : memref<!tpu.dma_semaphore, #tpu.memory_space<semaphore_mem>>)
        %dma_wait3A_113 = tpu.memref_slice %arg4[%multiple_of3A_48] : memref<320000xi32, #tpu.memory_space<hbm>> -> memref<4000xi32, #tpu.memory_space<hbm>>
        %dma_wait3A_114 = tpu.memref_slice %arg4[%multiple_of3A_48] : memref<320000xi32, #tpu.memory_space<hbm>> -> memref<4000xi32, #tpu.memory_space<hbm>>
        tpu.wait_dma2 semaphore(%run_scoped3A : memref<!tpu.dma_semaphore, #tpu.memory_space<semaphore_mem>>) src(%dma_wait3A_114 : memref<4000xi32, #tpu.memory_space<hbm>>) dst(%arg11 : memref<4000xi32, #tpu.memory_space<vmem>>)
        tpu.yield
      }) : () -> ()
      "tpu.region"() ({
        %run_scoped3A = tpu.sem_alloc : memref<!tpu.dma_semaphore, #tpu.memory_space<semaphore_mem>>
        %dma_start3A_111 = tpu.memref_slice %arg5[%multiple_of3A_48] : memref<320000xi32, #tpu.memory_space<hbm>> -> memref<4000xi32, #tpu.memory_space<hbm>>
        %dma_start3A_112 = tpu.memref_slice %arg5[%multiple_of3A_48] : memref<320000xi32, #tpu.memory_space<hbm>> -> memref<4000xi32, #tpu.memory_space<hbm>>
        tpu.enqueue_dma source(%dma_start3A_112 : memref<4000xi32, #tpu.memory_space<hbm>>) target(%arg12 : memref<4000xi32, #tpu.memory_space<vmem>>) target_semaphore(%run_scoped3A : memref<!tpu.dma_semaphore, #tpu.memory_space<semaphore_mem>>)
        %dma_wait3A_113 = tpu.memref_slice %arg5[%multiple_of3A_48] : memref<320000xi32, #tpu.memory_space<hbm>> -> memref<4000xi32, #tpu.memory_space<hbm>>
        %dma_wait3A_114 = tpu.memref_slice %arg5[%multiple_of3A_48] : memref<320000xi32, #tpu.memory_space<hbm>> -> memref<4000xi32, #tpu.memory_space<hbm>>
        tpu.wait_dma2 semaphore(%run_scoped3A : memref<!tpu.dma_semaphore, #tpu.memory_space<semaphore_mem>>) src(%dma_wait3A_114 : memref<4000xi32, #tpu.memory_space<hbm>>) dst(%arg12 : memref<4000xi32, #tpu.memory_space<vmem>>)
        tpu.yield
      }) : () -> ()
      %scan3A_49 = arith.constant 0 : i32
      %scan3A_50 = arith.constant 0 : i32
      %scan3A_51 = arith.constant 5 : i32
      %scan3A_52 = arith.addi %scan3A_50, %scan3A_51 : i32
      %scan3A_53 = arith.constant 1 : i32
      scf.for %scan3A_111 = %scan3A_50 to %scan3A_52 step %scan3A_53  : i32 {
        %mul3A_112 = arith.constant 16 : i32
        %mul3A_113 = arith.muli %scan3A_111, %mul3A_112 : i32
        %add3A_114 = arith.constant 0 : i32
        %add3A_115 = arith.addi %add3A_114, %mul3A_113 : i32
        %get3A = arith.index_cast %add3A_115 : i32 to index
        %get3A_116 = tpu.vector_load %arg11[%get3A] {strides = array<i32>} : memref<4000xi32, #tpu.memory_space<vmem>>, vector<16xi32>,
        %mul3A_117 = arith.constant 16 : i32
        %mul3A_118 = arith.muli %scan3A_111, %mul3A_117 : i32
        %swap3A = arith.index_cast %mul3A_118 : i32 to index
        %swap3A_119 = tpu.vector_load %arg13[%swap3A] {strides = array<i32>} : memref<80xi32, #tpu.memory_space<vmem>>, vector<16xi32>,
        tpu.vector_store %arg13[%swap3A], %get3A_116 {strides = array<i32>} : memref<80xi32, #tpu.memory_space<vmem>>, vector<16xi32>,
      }
      %scan3A_54 = arith.constant 5 : i32
      %add3A_55 = arith.constant 0 : i32
      %add3A_56 = arith.addi %multiple_of3A_48, %add3A_55 : i32
      %multiple_of3A_57 = tpu.assume_multiple %add3A_56, 8 : i32
      %dma_start3A = arith.constant 0 : i32
      %dma_start3A_58 = arith.constant 0 : i32
      %dma_start3A_59 = tpu.memref_slice %arg2[%arg0, %dma_start3A, %dma_start3A_58] : memref<2x10000x64xf32, #tpu.memory_space<hbm>> -> memref<1x10000x64xf32, #tpu.memory_space<hbm>>
      %dma_start3A_60 = tpu.memref_squeeze %dma_start3A_59 : memref<1x10000x64xf32, #tpu.memory_space<hbm>> -> memref<10000x64xf32, #tpu.memory_space<hbm>>
      %dma_start3A_61 = arith.constant 0 : i32
      %dma_start3A_62 = arith.constant 0 : i32
      %dma_start3A_63 = tpu.memref_slice %dma_start3A_60[%dma_start3A_61, %dma_start3A_62] : memref<10000x64xf32, #tpu.memory_space<hbm>> -> memref<10000x64xf32, #tpu.memory_space<hbm>>
      tpu.enqueue_indirect_dma source(%dma_start3A_63 : memref<10000x64xf32, #tpu.memory_space<hbm>>) target(%arg19 : memref<80x64xf32, #tpu.memory_space<vmem>>) offsets(%arg13 : memref<80xi32, #tpu.memory_space<vmem>>) semaphore(%arg28 : memref<!tpu.dma_semaphore, #tpu.memory_space<semaphore_mem>>)
      %mul3A_64 = arith.constant 64 : i32
      %mul3A_65 = arith.muli %arg0, %mul3A_64 : i32
      %dma_start3A_66 = tpu.memref_slice %arg3[%multiple_of3A_57, %mul3A_65] : memref<320000x128xf32, #tpu.memory_space<hbm>> -> memref<80x64xf32, #tpu.memory_space<hbm>>
      %dma_start3A_67 = tpu.memref_slice %arg3[%multiple_of3A_57, %mul3A_65] : memref<320000x128xf32, #tpu.memory_space<hbm>> -> memref<80x64xf32, #tpu.memory_space<hbm>>
      tpu.enqueue_dma source(%dma_start3A_67 : memref<80x64xf32, #tpu.memory_space<hbm>>) target(%arg21 : memref<80x64xf32, #tpu.memory_space<vmem>>) target_semaphore(%arg30 : memref<!tpu.dma_semaphore, #tpu.memory_space<semaphore_mem>>)
      %scan3A_68 = arith.constant 0 : i32
      %scan3A_69 = arith.constant 0 : i32
      %scan3A_70 = arith.constant 25 : i32
      %scan3A_71 = arith.addi %scan3A_69, %scan3A_70 : i32
      %scan3A_72 = arith.constant 1 : i32
      scf.for %scan3A_111 = %scan3A_69 to %scan3A_71 step %scan3A_72  : i32 {
        %mul3A_112 = arith.constant 2 : i32
        %mul3A_113 = arith.muli %mul3A_112, %scan3A_111 : i32
        %mul3A_114 = arith.constant 80 : i32
        %mul3A_115 = arith.muli %mul3A_113, %mul3A_114 : i32
        %add3A_116 = arith.addi %multiple_of3A_48, %mul3A_115 : i32
        %multiple_of3A_117 = tpu.assume_multiple %add3A_116, 8 : i32
        %dma_wait3A_118 = arith.constant 0 : i32
        %dma_wait3A_119 = arith.constant 0 : i32
        %dma_wait3A_120 = tpu.memref_slice %arg2[%arg0, %dma_wait3A_118, %dma_wait3A_119] : memref<2x10000x64xf32, #tpu.memory_space<hbm>> -> memref<1x10000x64xf32, #tpu.memory_space<hbm>>
        %dma_wait3A_121 = tpu.memref_squeeze %dma_wait3A_120 : memref<1x10000x64xf32, #tpu.memory_space<hbm>> -> memref<10000x64xf32, #tpu.memory_space<hbm>>
        %dma_wait3A_122 = arith.constant 0 : i32
        %dma_wait3A_123 = arith.constant 0 : i32
        %dma_wait3A_124 = tpu.memref_slice %dma_wait3A_121[%dma_wait3A_122, %dma_wait3A_123] : memref<10000x64xf32, #tpu.memory_space<hbm>> -> memref<10000x64xf32, #tpu.memory_space<hbm>>
        tpu.wait_indirect_dma semaphore(%arg28 : memref<!tpu.dma_semaphore, #tpu.memory_space<semaphore_mem>>) src(%dma_wait3A_124 : memref<10000x64xf32, #tpu.memory_space<hbm>>) dst(%arg19 : memref<80x64xf32, #tpu.memory_space<vmem>>)
        %mul3A_125 = arith.constant 64 : i32
        %mul3A_126 = arith.muli %arg0, %mul3A_125 : i32
        %dma_wait3A_127 = tpu.memref_slice %arg3[%multiple_of3A_117, %mul3A_126] : memref<320000x128xf32, #tpu.memory_space<hbm>> -> memref<80x64xf32, #tpu.memory_space<hbm>>
        %dma_wait3A_128 = tpu.memref_slice %arg3[%multiple_of3A_117, %mul3A_126] : memref<320000x128xf32, #tpu.memory_space<hbm>> -> memref<80x64xf32, #tpu.memory_space<hbm>>
        tpu.wait_dma2 semaphore(%arg30 : memref<!tpu.dma_semaphore, #tpu.memory_space<semaphore_mem>>) src(%dma_wait3A_128 : memref<80x64xf32, #tpu.memory_space<hbm>>) dst(%arg21 : memref<80x64xf32, #tpu.memory_space<vmem>>)
        %add3A_129 = arith.constant 1 : i32
        %add3A_130 = arith.addi %mul3A_113, %add3A_129 : i32
        %lt3A = arith.constant 50 : i32
        %lt3A_131 = arith.cmpi slt, %add3A_130, %lt3A : i32
        %convert_element_type3A = arith.extui %lt3A_131 : i1 to i32
        %cond3A = arith.constant 0 : i32
        %cond3A_132 = arith.cmpi ne, %convert_element_type3A, %cond3A : i32
        scf.if %cond3A_132 {
          %add3A_228 = arith.constant 1 : i32
          %add3A_229 = arith.addi %mul3A_113, %add3A_228 : i32
          %mul3A_230 = arith.constant 80 : i32
          %mul3A_231 = arith.muli %add3A_229, %mul3A_230 : i32
          %scan3A_232 = arith.constant 0 : i32
          %scan3A_233 = arith.constant 0 : i32
          %scan3A_234 = arith.constant 5 : i32
          %scan3A_235 = arith.addi %scan3A_233, %scan3A_234 : i32
          %scan3A_236 = arith.constant 1 : i32
          scf.for %scan3A_253 = %scan3A_233 to %scan3A_235 step %scan3A_236  : i32 {
            %mul3A_254 = arith.constant 16 : i32
            %mul3A_255 = arith.muli %scan3A_253, %mul3A_254 : i32
            %add3A_256 = arith.addi %mul3A_231, %mul3A_255 : i32
            %get3A = arith.index_cast %add3A_256 : i32 to index
            %get3A_257 = tpu.vector_load %arg11[%get3A] {strides = array<i32>} : memref<4000xi32, #tpu.memory_space<vmem>>, vector<16xi32>,
            %mul3A_258 = arith.constant 16 : i32
            %mul3A_259 = arith.muli %scan3A_253, %mul3A_258 : i32
            %swap3A = arith.index_cast %mul3A_259 : i32 to index
            %swap3A_260 = tpu.vector_load %arg14[%swap3A] {strides = array<i32>} : memref<80xi32, #tpu.memory_space<vmem>>, vector<16xi32>,
            tpu.vector_store %arg14[%swap3A], %get3A_257 {strides = array<i32>} : memref<80xi32, #tpu.memory_space<vmem>>, vector<16xi32>,
          }
          %scan3A_237 = arith.constant 5 : i32
          %mul3A_238 = arith.constant 80 : i32
          %mul3A_239 = arith.muli %add3A_229, %mul3A_238 : i32
          %add3A_240 = arith.addi %multiple_of3A_48, %mul3A_239 : i32
          %multiple_of3A_241 = tpu.assume_multiple %add3A_240, 8 : i32
          %dma_start3A_242 = arith.constant 0 : i32
          %dma_start3A_243 = arith.constant 0 : i32
          %dma_start3A_244 = tpu.memref_slice %arg2[%arg0, %dma_start3A_242, %dma_start3A_243] : memref<2x10000x64xf32, #tpu.memory_space<hbm>> -> memref<1x10000x64xf32, #tpu.memory_space<hbm>>
          %dma_start3A_245 = tpu.memref_squeeze %dma_start3A_244 : memref<1x10000x64xf32, #tpu.memory_space<hbm>> -> memref<10000x64xf32, #tpu.memory_space<hbm>>
          %dma_start3A_246 = arith.constant 0 : i32
          %dma_start3A_247 = arith.constant 0 : i32
          %dma_start3A_248 = tpu.memref_slice %dma_start3A_245[%dma_start3A_246, %dma_start3A_247] : memref<10000x64xf32, #tpu.memory_space<hbm>> -> memref<10000x64xf32, #tpu.memory_space<hbm>>
          tpu.enqueue_indirect_dma source(%dma_start3A_248 : memref<10000x64xf32, #tpu.memory_space<hbm>>) target(%arg20 : memref<80x64xf32, #tpu.memory_space<vmem>>) offsets(%arg14 : memref<80xi32, #tpu.memory_space<vmem>>) semaphore(%arg29 : memref<!tpu.dma_semaphore, #tpu.memory_space<semaphore_mem>>)
          %mul3A_249 = arith.constant 64 : i32
          %mul3A_250 = arith.muli %arg0, %mul3A_249 : i32
          %dma_start3A_251 = tpu.memref_slice %arg3[%multiple_of3A_241, %mul3A_250] : memref<320000x128xf32, #tpu.memory_space<hbm>> -> memref<80x64xf32, #tpu.memory_space<hbm>>
          %dma_start3A_252 = tpu.memref_slice %arg3[%multiple_of3A_241, %mul3A_250] : memref<320000x128xf32, #tpu.memory_space<hbm>> -> memref<80x64xf32, #tpu.memory_space<hbm>>
          tpu.enqueue_dma source(%dma_start3A_252 : memref<80x64xf32, #tpu.memory_space<hbm>>) target(%arg22 : memref<80x64xf32, #tpu.memory_space<vmem>>) target_semaphore(%arg31 : memref<!tpu.dma_semaphore, #tpu.memory_space<semaphore_mem>>)
        } else {
        }
        %ge3A = arith.constant 2 : i32
        %ge3A_133 = arith.cmpi sge, %mul3A_113, %ge3A : i32
        %convert_element_type3A_134 = arith.extui %ge3A_133 : i1 to i32
        %cond3A_135 = arith.constant 0 : i32
        %cond3A_136 = arith.cmpi ne, %convert_element_type3A_134, %cond3A_135 : i32
        scf.if %cond3A_136 {
          %sub3A = arith.constant 2 : i32
          %sub3A_228 = arith.subi %mul3A_113, %sub3A : i32
          %mul3A_229 = arith.constant 80 : i32
          %mul3A_230 = arith.muli %sub3A_228, %mul3A_229 : i32
          %add3A_231 = arith.addi %multiple_of3A_48, %mul3A_230 : i32
          %multiple_of3A_232 = tpu.assume_multiple %add3A_231, 8 : i32
          %mul3A_233 = arith.constant 64 : i32
          %mul3A_234 = arith.muli %arg0, %mul3A_233 : i32
          %dma_wait3A_235 = arith.constant 0 : i32
          %dma_wait3A_236 = arith.constant 0 : i32
          %dma_wait3A_237 = tpu.memref_slice %arg23[%dma_wait3A_235, %dma_wait3A_236] : memref<80x80xf32, #tpu.memory_space<vmem>> -> memref<80x64xf32, #tpu.memory_space<vmem>>
          %dma_wait3A_238 = tpu.memref_slice %arg7[%multiple_of3A_232, %mul3A_234] : memref<320000x128xf32, #tpu.memory_space<hbm>> -> memref<80x64xf32, #tpu.memory_space<hbm>>
          %dma_wait3A_239 = tpu.memref_slice %arg7[%multiple_of3A_232, %mul3A_234] : memref<320000x128xf32, #tpu.memory_space<hbm>> -> memref<80x64xf32, #tpu.memory_space<hbm>>
          %dma_wait3A_240 = arith.constant 0 : i32
          %dma_wait3A_241 = arith.constant 0 : i32
          %dma_wait3A_242 = tpu.memref_slice %arg23[%dma_wait3A_240, %dma_wait3A_241] : memref<80x80xf32, #tpu.memory_space<vmem>> -> memref<80x64xf32, #tpu.memory_space<vmem>>
          tpu.wait_dma2 semaphore(%arg32 : memref<!tpu.dma_semaphore, #tpu.memory_space<semaphore_mem>>) src(%dma_wait3A_242 : memref<80x64xf32, #tpu.memory_space<vmem>>) dst(%dma_wait3A_239 : memref<80x64xf32, #tpu.memory_space<hbm>>)
          %dma_wait3A_243 = arith.constant 0 : i32
          %dma_wait3A_244 = arith.constant 0 : i32
          %dma_wait3A_245 = tpu.memref_slice %arg26[%dma_wait3A_243, %dma_wait3A_244] : memref<10112x80xf32, #tpu.memory_space<vmem_shared>> -> memref<10112x80xf32, #tpu.memory_space<vmem_shared>>
          tpu.wait_indirect_dma semaphore(%arg34 : memref<!tpu.dma_semaphore, #tpu.memory_space<semaphore_mem>>) src(%arg23 : memref<80x80xf32, #tpu.memory_space<vmem>>) dst(%dma_wait3A_245 : memref<10112x80xf32, #tpu.memory_space<vmem_shared>>)
          %dma_wait3A_246 = arith.constant 0 : i32
          %dma_wait3A_247 = arith.constant 0 : i32
          %dma_wait3A_248 = tpu.memref_slice %arg27[%dma_wait3A_246, %dma_wait3A_247] : memref<256x80xf32, #tpu.memory_space<vmem_shared>> -> memref<256x80xf32, #tpu.memory_space<vmem_shared>>
          tpu.wait_indirect_dma semaphore(%arg36 : memref<!tpu.dma_semaphore, #tpu.memory_space<semaphore_mem>>) src(%arg23 : memref<80x80xf32, #tpu.memory_space<vmem>>) dst(%dma_wait3A_248 : memref<256x80xf32, #tpu.memory_space<vmem_shared>>)
        } else {
        }
        %mul3A_137 = arith.constant 80 : i32
        %mul3A_138 = arith.muli %mul3A_113, %mul3A_137 : i32
        %scan3A_139 = arith.constant 0 : i32
        %scan3A_140 = arith.constant 0 : i32
        %scan3A_141 = arith.constant 5 : i32
        %scan3A_142 = arith.addi %scan3A_140, %scan3A_141 : i32
        %scan3A_143 = arith.constant 1 : i32
        scf.for %scan3A_228 = %scan3A_140 to %scan3A_142 step %scan3A_143  : i32 {
          %mul3A_229 = arith.constant 16 : i32
          %mul3A_230 = arith.muli %scan3A_228, %mul3A_229 : i32
          %add3A_231 = arith.addi %mul3A_138, %mul3A_230 : i32
          %get3A = arith.index_cast %add3A_231 : i32 to index
          %get3A_232 = tpu.vector_load %arg12[%get3A] {strides = array<i32>} : memref<4000xi32, #tpu.memory_space<vmem>>, vector<16xi32>,
          %mul3A_233 = arith.constant 16 : i32
          %mul3A_234 = arith.muli %scan3A_228, %mul3A_233 : i32
          %swap3A = arith.index_cast %mul3A_234 : i32 to index
          %swap3A_235 = tpu.vector_load %arg15[%swap3A] {strides = array<i32>} : memref<80xi32, #tpu.memory_space<vmem>>, vector<16xi32>,
          tpu.vector_store %arg15[%swap3A], %get3A_232 {strides = array<i32>} : memref<80xi32, #tpu.memory_space<vmem>>, vector<16xi32>,
          %mul3A_236 = arith.constant 16 : i32
          %mul3A_237 = arith.muli %scan3A_228, %mul3A_236 : i32
          %get3A_238 = arith.index_cast %mul3A_237 : i32 to index
          %get3A_239 = tpu.vector_load %arg13[%get3A_238] {strides = array<i32>} : memref<80xi32, #tpu.memory_space<vmem>>, vector<16xi32>,
          %gather3A = tpu.vector_load_idx %arg10[%get3A_239] : memref<10000xi32, #tpu.memory_space<vmem>>[vector<16xi32>], vector<16xi32>,
          %mul3A_240 = arith.constant 16 : i32
          %mul3A_241 = arith.muli %arg1, %mul3A_240 : i32
          %add3A_242 = vector.broadcast %mul3A_241 : i32 to vector<16xi32>
          %add3A_243 = arith.addi %gather3A, %add3A_242 : vector<16xi32>
          %mul3A_244 = arith.constant 16 : i32
          %mul3A_245 = arith.muli %scan3A_228, %mul3A_244 : i32
          %swap3A_246 = arith.index_cast %mul3A_245 : i32 to index
          %swap3A_247 = tpu.vector_load %arg17[%swap3A_246] {strides = array<i32>} : memref<80xi32, #tpu.memory_space<vmem>>, vector<16xi32>,
          tpu.vector_store %arg17[%swap3A_246], %add3A_243 {strides = array<i32>} : memref<80xi32, #tpu.memory_space<vmem>>, vector<16xi32>,
        }
        %scan3A_144 = arith.constant 5 : i32
        %scan3A_145 = arith.constant 0 : i32
        %scan3A_146 = arith.constant 0 : i32
        %scan3A_147 = arith.constant 40 : i32
        %scan3A_148 = arith.addi %scan3A_146, %scan3A_147 : i32
        %scan3A_149 = arith.constant 1 : i32
        scf.for %scan3A_228 = %scan3A_146 to %scan3A_148 step %scan3A_149  : i32 {
          %mul3A_229 = arith.constant 2 : i32
          %mul3A_230 = arith.muli %mul3A_229, %scan3A_228 : i32
          %add3A_231 = arith.constant 0 : i32
          %add3A_232 = arith.addi %mul3A_230, %add3A_231 : i32
          %get3A = arith.index_cast %add3A_232 : i32 to index
          %get3A_233 = arith.constant 0 : index
          %get3A_234 = tpu.vector_load %arg19[%get3A, %get3A_233] {strides = array<i32>} : memref<80x64xf32, #tpu.memory_space<vmem>>, vector<16xf32>,
          %get3A_235 = arith.index_cast %add3A_232 : i32 to index
          %get3A_236 = arith.constant 0 : index
          %get3A_237 = tpu.vector_load %arg21[%get3A_235, %get3A_236] {strides = array<i32>} : memref<80x64xf32, #tpu.memory_space<vmem>>, vector<16xf32>,
          %add3A_238 = arith.addf %get3A_234, %get3A_237 : vector<16xf32>
          %max3A = arith.constant 0.000000e+00 : f32
          %max3A_239 = vector.broadcast %max3A : f32 to vector<16xf32>
          %max3A_240 = arith.maximumf %add3A_238, %max3A_239 : vector<16xf32>
          %swap3A = arith.index_cast %add3A_232 : i32 to index
          %swap3A_241 = arith.constant 0 : index
          %swap3A_242 = tpu.vector_load %arg23[%swap3A, %swap3A_241] {strides = array<i32>} : memref<80x80xf32, #tpu.memory_space<vmem>>, vector<16xf32>,
          tpu.vector_store %arg23[%swap3A, %swap3A_241], %max3A_240 {strides = array<i32>} : memref<80x80xf32, #tpu.memory_space<vmem>>, vector<16xf32>,
          %get3A_243 = arith.index_cast %add3A_232 : i32 to index
          %get3A_244 = arith.constant 16 : index
          %get3A_245 = tpu.vector_load %arg19[%get3A_243, %get3A_244] {strides = array<i32>} : memref<80x64xf32, #tpu.memory_space<vmem>>, vector<16xf32>,
          %get3A_246 = arith.index_cast %add3A_232 : i32 to index
          %get3A_247 = arith.constant 16 : index
          %get3A_248 = tpu.vector_load %arg21[%get3A_246, %get3A_247] {strides = array<i32>} : memref<80x64xf32, #tpu.memory_space<vmem>>, vector<16xf32>,
          %add3A_249 = arith.addf %get3A_245, %get3A_248 : vector<16xf32>
          %max3A_250 = arith.constant 0.000000e+00 : f32
          %max3A_251 = vector.broadcast %max3A_250 : f32 to vector<16xf32>
          %max3A_252 = arith.maximumf %add3A_249, %max3A_251 : vector<16xf32>
          %swap3A_253 = arith.index_cast %add3A_232 : i32 to index
          %swap3A_254 = arith.constant 16 : index
          %swap3A_255 = tpu.vector_load %arg23[%swap3A_253, %swap3A_254] {strides = array<i32>} : memref<80x80xf32, #tpu.memory_space<vmem>>, vector<16xf32>,
          tpu.vector_store %arg23[%swap3A_253, %swap3A_254], %max3A_252 {strides = array<i32>} : memref<80x80xf32, #tpu.memory_space<vmem>>, vector<16xf32>,
          %get3A_256 = arith.index_cast %add3A_232 : i32 to index
          %get3A_257 = arith.constant 32 : index
          %get3A_258 = tpu.vector_load %arg19[%get3A_256, %get3A_257] {strides = array<i32>} : memref<80x64xf32, #tpu.memory_space<vmem>>, vector<16xf32>,
          %get3A_259 = arith.index_cast %add3A_232 : i32 to index
          %get3A_260 = arith.constant 32 : index
          %get3A_261 = tpu.vector_load %arg21[%get3A_259, %get3A_260] {strides = array<i32>} : memref<80x64xf32, #tpu.memory_space<vmem>>, vector<16xf32>,
          %add3A_262 = arith.addf %get3A_258, %get3A_261 : vector<16xf32>
          %max3A_263 = arith.constant 0.000000e+00 : f32
          %max3A_264 = vector.broadcast %max3A_263 : f32 to vector<16xf32>
          %max3A_265 = arith.maximumf %add3A_262, %max3A_264 : vector<16xf32>
          %swap3A_266 = arith.index_cast %add3A_232 : i32 to index
          %swap3A_267 = arith.constant 32 : index
          %swap3A_268 = tpu.vector_load %arg23[%swap3A_266, %swap3A_267] {strides = array<i32>} : memref<80x80xf32, #tpu.memory_space<vmem>>, vector<16xf32>,
          tpu.vector_store %arg23[%swap3A_266, %swap3A_267], %max3A_265 {strides = array<i32>} : memref<80x80xf32, #tpu.memory_space<vmem>>, vector<16xf32>,
          %get3A_269 = arith.index_cast %add3A_232 : i32 to index
          %get3A_270 = arith.constant 48 : index
          %get3A_271 = tpu.vector_load %arg19[%get3A_269, %get3A_270] {strides = array<i32>} : memref<80x64xf32, #tpu.memory_space<vmem>>, vector<16xf32>,
          %get3A_272 = arith.index_cast %add3A_232 : i32 to index
          %get3A_273 = arith.constant 48 : index
          %get3A_274 = tpu.vector_load %arg21[%get3A_272, %get3A_273] {strides = array<i32>} : memref<80x64xf32, #tpu.memory_space<vmem>>, vector<16xf32>,
          %add3A_275 = arith.addf %get3A_271, %get3A_274 : vector<16xf32>
          %max3A_276 = arith.constant 0.000000e+00 : f32
          %max3A_277 = vector.broadcast %max3A_276 : f32 to vector<16xf32>
          %max3A_278 = arith.maximumf %add3A_275, %max3A_277 : vector<16xf32>
          %swap3A_279 = arith.index_cast %add3A_232 : i32 to index
          %swap3A_280 = arith.constant 48 : index
          %swap3A_281 = tpu.vector_load %arg23[%swap3A_279, %swap3A_280] {strides = array<i32>} : memref<80x80xf32, #tpu.memory_space<vmem>>, vector<16xf32>,
          tpu.vector_store %arg23[%swap3A_279, %swap3A_280], %max3A_278 {strides = array<i32>} : memref<80x80xf32, #tpu.memory_space<vmem>>, vector<16xf32>,
          %mul3A_282 = arith.constant 2 : i32
          %mul3A_283 = arith.muli %mul3A_282, %scan3A_228 : i32
          %add3A_284 = arith.constant 1 : i32
          %add3A_285 = arith.addi %mul3A_283, %add3A_284 : i32
          %get3A_286 = arith.index_cast %add3A_285 : i32 to index
          %get3A_287 = arith.constant 0 : index
          %get3A_288 = tpu.vector_load %arg19[%get3A_286, %get3A_287] {strides = array<i32>} : memref<80x64xf32, #tpu.memory_space<vmem>>, vector<16xf32>,
          %get3A_289 = arith.index_cast %add3A_285 : i32 to index
          %get3A_290 = arith.constant 0 : index
          %get3A_291 = tpu.vector_load %arg21[%get3A_289, %get3A_290] {strides = array<i32>} : memref<80x64xf32, #tpu.memory_space<vmem>>, vector<16xf32>,
          %add3A_292 = arith.addf %get3A_288, %get3A_291 : vector<16xf32>
          %max3A_293 = arith.constant 0.000000e+00 : f32
          %max3A_294 = vector.broadcast %max3A_293 : f32 to vector<16xf32>
          %max3A_295 = arith.maximumf %add3A_292, %max3A_294 : vector<16xf32>
          %swap3A_296 = arith.index_cast %add3A_285 : i32 to index
          %swap3A_297 = arith.constant 0 : index
          %swap3A_298 = tpu.vector_load %arg23[%swap3A_296, %swap3A_297] {strides = array<i32>} : memref<80x80xf32, #tpu.memory_space<vmem>>, vector<16xf32>,
          tpu.vector_store %arg23[%swap3A_296, %swap3A_297], %max3A_295 {strides = array<i32>} : memref<80x80xf32, #tpu.memory_space<vmem>>, vector<16xf32>,
          %get3A_299 = arith.index_cast %add3A_285 : i32 to index
          %get3A_300 = arith.constant 16 : index
          %get3A_301 = tpu.vector_load %arg19[%get3A_299, %get3A_300] {strides = array<i32>} : memref<80x64xf32, #tpu.memory_space<vmem>>, vector<16xf32>,
          %get3A_302 = arith.index_cast %add3A_285 : i32 to index
          %get3A_303 = arith.constant 16 : index
          %get3A_304 = tpu.vector_load %arg21[%get3A_302, %get3A_303] {strides = array<i32>} : memref<80x64xf32, #tpu.memory_space<vmem>>, vector<16xf32>,
          %add3A_305 = arith.addf %get3A_301, %get3A_304 : vector<16xf32>
          %max3A_306 = arith.constant 0.000000e+00 : f32
          %max3A_307 = vector.broadcast %max3A_306 : f32 to vector<16xf32>
          %max3A_308 = arith.maximumf %add3A_305, %max3A_307 : vector<16xf32>
          %swap3A_309 = arith.index_cast %add3A_285 : i32 to index
          %swap3A_310 = arith.constant 16 : index
          %swap3A_311 = tpu.vector_load %arg23[%swap3A_309, %swap3A_310] {strides = array<i32>} : memref<80x80xf32, #tpu.memory_space<vmem>>, vector<16xf32>,
          tpu.vector_store %arg23[%swap3A_309, %swap3A_310], %max3A_308 {strides = array<i32>} : memref<80x80xf32, #tpu.memory_space<vmem>>, vector<16xf32>,
          %get3A_312 = arith.index_cast %add3A_285 : i32 to index
          %get3A_313 = arith.constant 32 : index
          %get3A_314 = tpu.vector_load %arg19[%get3A_312, %get3A_313] {strides = array<i32>} : memref<80x64xf32, #tpu.memory_space<vmem>>, vector<16xf32>,
          %get3A_315 = arith.index_cast %add3A_285 : i32 to index
          %get3A_316 = arith.constant 32 : index
          %get3A_317 = tpu.vector_load %arg21[%get3A_315, %get3A_316] {strides = array<i32>} : memref<80x64xf32, #tpu.memory_space<vmem>>, vector<16xf32>,
          %add3A_318 = arith.addf %get3A_314, %get3A_317 : vector<16xf32>
          %max3A_319 = arith.constant 0.000000e+00 : f32
          %max3A_320 = vector.broadcast %max3A_319 : f32 to vector<16xf32>
          %max3A_321 = arith.maximumf %add3A_318, %max3A_320 : vector<16xf32>
          %swap3A_322 = arith.index_cast %add3A_285 : i32 to index
          %swap3A_323 = arith.constant 32 : index
          %swap3A_324 = tpu.vector_load %arg23[%swap3A_322, %swap3A_323] {strides = array<i32>} : memref<80x80xf32, #tpu.memory_space<vmem>>, vector<16xf32>,
          tpu.vector_store %arg23[%swap3A_322, %swap3A_323], %max3A_321 {strides = array<i32>} : memref<80x80xf32, #tpu.memory_space<vmem>>, vector<16xf32>,
          %get3A_325 = arith.index_cast %add3A_285 : i32 to index
          %get3A_326 = arith.constant 48 : index
          %get3A_327 = tpu.vector_load %arg19[%get3A_325, %get3A_326] {strides = array<i32>} : memref<80x64xf32, #tpu.memory_space<vmem>>, vector<16xf32>,
          %get3A_328 = arith.index_cast %add3A_285 : i32 to index
          %get3A_329 = arith.constant 48 : index
          %get3A_330 = tpu.vector_load %arg21[%get3A_328, %get3A_329] {strides = array<i32>} : memref<80x64xf32, #tpu.memory_space<vmem>>, vector<16xf32>,
          %add3A_331 = arith.addf %get3A_327, %get3A_330 : vector<16xf32>
          %max3A_332 = arith.constant 0.000000e+00 : f32
          %max3A_333 = vector.broadcast %max3A_332 : f32 to vector<16xf32>
          %max3A_334 = arith.maximumf %add3A_331, %max3A_333 : vector<16xf32>
          %swap3A_335 = arith.index_cast %add3A_285 : i32 to index
          %swap3A_336 = arith.constant 48 : index
          %swap3A_337 = tpu.vector_load %arg23[%swap3A_335, %swap3A_336] {strides = array<i32>} : memref<80x80xf32, #tpu.memory_space<vmem>>, vector<16xf32>,
          tpu.vector_store %arg23[%swap3A_335, %swap3A_336], %max3A_334 {strides = array<i32>} : memref<80x80xf32, #tpu.memory_space<vmem>>, vector<16xf32>,
        }
        %scan3A_150 = arith.constant 40 : i32
        %mul3A_151 = arith.constant 64 : i32
        %mul3A_152 = arith.muli %arg0, %mul3A_151 : i32
        %dma_start3A_153 = arith.constant 0 : i32
        %dma_start3A_154 = arith.constant 0 : i32
        %dma_start3A_155 = tpu.memref_slice %arg23[%dma_start3A_153, %dma_start3A_154] : memref<80x80xf32, #tpu.memory_space<vmem>> -> memref<80x64xf32, #tpu.memory_space<vmem>>
        %dma_start3A_156 = tpu.memref_slice %arg7[%multiple_of3A_117, %mul3A_152] : memref<320000x128xf32, #tpu.memory_space<hbm>> -> memref<80x64xf32, #tpu.memory_space<hbm>>
        %dma_start3A_157 = tpu.memref_slice %arg7[%multiple_of3A_117, %mul3A_152] : memref<320000x128xf32, #tpu.memory_space<hbm>> -> memref<80x64xf32, #tpu.memory_space<hbm>>
        %dma_start3A_158 = arith.constant 0 : i32
        %dma_start3A_159 = arith.constant 0 : i32
        %dma_start3A_160 = tpu.memref_slice %arg23[%dma_start3A_158, %dma_start3A_159] : memref<80x80xf32, #tpu.memory_space<vmem>> -> memref<80x64xf32, #tpu.memory_space<vmem>>
        tpu.enqueue_dma source(%dma_start3A_160 : memref<80x64xf32, #tpu.memory_space<vmem>>) target(%dma_start3A_157 : memref<80x64xf32, #tpu.memory_space<hbm>>) target_semaphore(%arg32 : memref<!tpu.dma_semaphore, #tpu.memory_space<semaphore_mem>>)
        %dma_start3A_161 = arith.constant 0 : i32
        %dma_start3A_162 = arith.constant 0 : i32
        %dma_start3A_163 = tpu.memref_slice %arg26[%dma_start3A_161, %dma_start3A_162] : memref<10112x80xf32, #tpu.memory_space<vmem_shared>> -> memref<10112x80xf32, #tpu.memory_space<vmem_shared>>
        tpu.enqueue_indirect_dma source(%arg23 : memref<80x80xf32, #tpu.memory_space<vmem>>) target(%dma_start3A_163 : memref<10112x80xf32, #tpu.memory_space<vmem_shared>>) offsets(%arg15 : memref<80xi32, #tpu.memory_space<vmem>>) semaphore(%arg34 : memref<!tpu.dma_semaphore, #tpu.memory_space<semaphore_mem>>) {add = true}
        %dma_start3A_164 = arith.constant 0 : i32
        %dma_start3A_165 = arith.constant 0 : i32
        %dma_start3A_166 = tpu.memref_slice %arg27[%dma_start3A_164, %dma_start3A_165] : memref<256x80xf32, #tpu.memory_space<vmem_shared>> -> memref<256x80xf32, #tpu.memory_space<vmem_shared>>
        tpu.enqueue_indirect_dma source(%arg23 : memref<80x80xf32, #tpu.memory_space<vmem>>) target(%dma_start3A_166 : memref<256x80xf32, #tpu.memory_space<vmem_shared>>) offsets(%arg17 : memref<80xi32, #tpu.memory_space<vmem>>) semaphore(%arg36 : memref<!tpu.dma_semaphore, #tpu.memory_space<semaphore_mem>>) {add = true}
        %mul3A_167 = arith.constant 2 : i32
        %mul3A_168 = arith.muli %mul3A_167, %scan3A_111 : i32
        %add3A_169 = arith.constant 1 : i32
        %add3A_170 = arith.addi %mul3A_168, %add3A_169 : i32
        %mul3A_171 = arith.constant 80 : i32
        %mul3A_172 = arith.muli %add3A_170, %mul3A_171 : i32
        %add3A_173 = arith.addi %multiple_of3A_48, %mul3A_172 : i32
        %multiple_of3A_174 = tpu.assume_multiple %add3A_173, 8 : i32
        %dma_wait3A_175 = arith.constant 0 : i32
        %dma_wait3A_176 = arith.constant 0 : i32
        %dma_wait3A_177 = tpu.memref_slice %arg2[%arg0, %dma_wait3A_175, %dma_wait3A_176] : memref<2x10000x64xf32, #tpu.memory_space<hbm>> -> memref<1x10000x64xf32, #tpu.memory_space<hbm>>
        %dma_wait3A_178 = tpu.memref_squeeze %dma_wait3A_177 : memref<1x10000x64xf32, #tpu.memory_space<hbm>> -> memref<10000x64xf32, #tpu.memory_space<hbm>>
        %dma_wait3A_179 = arith.constant 0 : i32
        %dma_wait3A_180 = arith.constant 0 : i32
        %dma_wait3A_181 = tpu.memref_slice %dma_wait3A_178[%dma_wait3A_179, %dma_wait3A_180] : memref<10000x64xf32, #tpu.memory_space<hbm>> -> memref<10000x64xf32, #tpu.memory_space<hbm>>
        tpu.wait_indirect_dma semaphore(%arg29 : memref<!tpu.dma_semaphore, #tpu.memory_space<semaphore_mem>>) src(%dma_wait3A_181 : memref<10000x64xf32, #tpu.memory_space<hbm>>) dst(%arg20 : memref<80x64xf32, #tpu.memory_space<vmem>>)
        %mul3A_182 = arith.constant 64 : i32
        %mul3A_183 = arith.muli %arg0, %mul3A_182 : i32
        %dma_wait3A_184 = tpu.memref_slice %arg3[%multiple_of3A_174, %mul3A_183] : memref<320000x128xf32, #tpu.memory_space<hbm>> -> memref<80x64xf32, #tpu.memory_space<hbm>>
        %dma_wait3A_185 = tpu.memref_slice %arg3[%multiple_of3A_174, %mul3A_183] : memref<320000x128xf32, #tpu.memory_space<hbm>> -> memref<80x64xf32, #tpu.memory_space<hbm>>
        tpu.wait_dma2 semaphore(%arg31 : memref<!tpu.dma_semaphore, #tpu.memory_space<semaphore_mem>>) src(%dma_wait3A_185 : memref<80x64xf32, #tpu.memory_space<hbm>>) dst(%arg22 : memref<80x64xf32, #tpu.memory_space<vmem>>)
        %add3A_186 = arith.constant 1 : i32
        %add3A_187 = arith.addi %add3A_170, %add3A_186 : i32
        %lt3A_188 = arith.constant 50 : i32
        %lt3A_189 = arith.cmpi slt, %add3A_187, %lt3A_188 : i32
        %convert_element_type3A_190 = arith.extui %lt3A_189 : i1 to i32
        %cond3A_191 = arith.constant 0 : i32
        %cond3A_192 = arith.cmpi ne, %convert_element_type3A_190, %cond3A_191 : i32
        scf.if %cond3A_192 {
          %add3A_228 = arith.constant 1 : i32
          %add3A_229 = arith.addi %add3A_170, %add3A_228 : i32
          %mul3A_230 = arith.constant 80 : i32
          %mul3A_231 = arith.muli %add3A_229, %mul3A_230 : i32
          %scan3A_232 = arith.constant 0 : i32
          %scan3A_233 = arith.constant 0 : i32
          %scan3A_234 = arith.constant 5 : i32
          %scan3A_235 = arith.addi %scan3A_233, %scan3A_234 : i32
          %scan3A_236 = arith.constant 1 : i32
          scf.for %scan3A_253 = %scan3A_233 to %scan3A_235 step %scan3A_236  : i32 {
            %mul3A_254 = arith.constant 16 : i32
            %mul3A_255 = arith.muli %scan3A_253, %mul3A_254 : i32
            %add3A_256 = arith.addi %mul3A_231, %mul3A_255 : i32
            %get3A = arith.index_cast %add3A_256 : i32 to index
            %get3A_257 = tpu.vector_load %arg11[%get3A] {strides = array<i32>} : memref<4000xi32, #tpu.memory_space<vmem>>, vector<16xi32>,
            %mul3A_258 = arith.constant 16 : i32
            %mul3A_259 = arith.muli %scan3A_253, %mul3A_258 : i32
            %swap3A = arith.index_cast %mul3A_259 : i32 to index
            %swap3A_260 = tpu.vector_load %arg13[%swap3A] {strides = array<i32>} : memref<80xi32, #tpu.memory_space<vmem>>, vector<16xi32>,
            tpu.vector_store %arg13[%swap3A], %get3A_257 {strides = array<i32>} : memref<80xi32, #tpu.memory_space<vmem>>, vector<16xi32>,
          }
          %scan3A_237 = arith.constant 5 : i32
          %mul3A_238 = arith.constant 80 : i32
          %mul3A_239 = arith.muli %add3A_229, %mul3A_238 : i32
          %add3A_240 = arith.addi %multiple_of3A_48, %mul3A_239 : i32
          %multiple_of3A_241 = tpu.assume_multiple %add3A_240, 8 : i32
          %dma_start3A_242 = arith.constant 0 : i32
          %dma_start3A_243 = arith.constant 0 : i32
          %dma_start3A_244 = tpu.memref_slice %arg2[%arg0, %dma_start3A_242, %dma_start3A_243] : memref<2x10000x64xf32, #tpu.memory_space<hbm>> -> memref<1x10000x64xf32, #tpu.memory_space<hbm>>
          %dma_start3A_245 = tpu.memref_squeeze %dma_start3A_244 : memref<1x10000x64xf32, #tpu.memory_space<hbm>> -> memref<10000x64xf32, #tpu.memory_space<hbm>>
          %dma_start3A_246 = arith.constant 0 : i32
          %dma_start3A_247 = arith.constant 0 : i32
          %dma_start3A_248 = tpu.memref_slice %dma_start3A_245[%dma_start3A_246, %dma_start3A_247] : memref<10000x64xf32, #tpu.memory_space<hbm>> -> memref<10000x64xf32, #tpu.memory_space<hbm>>
          tpu.enqueue_indirect_dma source(%dma_start3A_248 : memref<10000x64xf32, #tpu.memory_space<hbm>>) target(%arg19 : memref<80x64xf32, #tpu.memory_space<vmem>>) offsets(%arg13 : memref<80xi32, #tpu.memory_space<vmem>>) semaphore(%arg28 : memref<!tpu.dma_semaphore, #tpu.memory_space<semaphore_mem>>)
          %mul3A_249 = arith.constant 64 : i32
          %mul3A_250 = arith.muli %arg0, %mul3A_249 : i32
          %dma_start3A_251 = tpu.memref_slice %arg3[%multiple_of3A_241, %mul3A_250] : memref<320000x128xf32, #tpu.memory_space<hbm>> -> memref<80x64xf32, #tpu.memory_space<hbm>>
          %dma_start3A_252 = tpu.memref_slice %arg3[%multiple_of3A_241, %mul3A_250] : memref<320000x128xf32, #tpu.memory_space<hbm>> -> memref<80x64xf32, #tpu.memory_space<hbm>>
          tpu.enqueue_dma source(%dma_start3A_252 : memref<80x64xf32, #tpu.memory_space<hbm>>) target(%arg21 : memref<80x64xf32, #tpu.memory_space<vmem>>) target_semaphore(%arg30 : memref<!tpu.dma_semaphore, #tpu.memory_space<semaphore_mem>>)
        } else {
        }
        %ge3A_193 = arith.constant 2 : i32
        %ge3A_194 = arith.cmpi sge, %add3A_170, %ge3A_193 : i32
        %convert_element_type3A_195 = arith.extui %ge3A_194 : i1 to i32
        %cond3A_196 = arith.constant 0 : i32
        %cond3A_197 = arith.cmpi ne, %convert_element_type3A_195, %cond3A_196 : i32
        scf.if %cond3A_197 {
          %sub3A = arith.constant 2 : i32
          %sub3A_228 = arith.subi %add3A_170, %sub3A : i32
          %mul3A_229 = arith.constant 80 : i32
          %mul3A_230 = arith.muli %sub3A_228, %mul3A_229 : i32
          %add3A_231 = arith.addi %multiple_of3A_48, %mul3A_230 : i32
          %multiple_of3A_232 = tpu.assume_multiple %add3A_231, 8 : i32
          %mul3A_233 = arith.constant 64 : i32
          %mul3A_234 = arith.muli %arg0, %mul3A_233 : i32
          %dma_wait3A_235 = arith.constant 0 : i32
          %dma_wait3A_236 = arith.constant 0 : i32
          %dma_wait3A_237 = tpu.memref_slice %arg24[%dma_wait3A_235, %dma_wait3A_236] : memref<80x80xf32, #tpu.memory_space<vmem>> -> memref<80x64xf32, #tpu.memory_space<vmem>>
          %dma_wait3A_238 = tpu.memref_slice %arg7[%multiple_of3A_232, %mul3A_234] : memref<320000x128xf32, #tpu.memory_space<hbm>> -> memref<80x64xf32, #tpu.memory_space<hbm>>
          %dma_wait3A_239 = tpu.memref_slice %arg7[%multiple_of3A_232, %mul3A_234] : memref<320000x128xf32, #tpu.memory_space<hbm>> -> memref<80x64xf32, #tpu.memory_space<hbm>>
          %dma_wait3A_240 = arith.constant 0 : i32
          %dma_wait3A_241 = arith.constant 0 : i32
          %dma_wait3A_242 = tpu.memref_slice %arg24[%dma_wait3A_240, %dma_wait3A_241] : memref<80x80xf32, #tpu.memory_space<vmem>> -> memref<80x64xf32, #tpu.memory_space<vmem>>
          tpu.wait_dma2 semaphore(%arg33 : memref<!tpu.dma_semaphore, #tpu.memory_space<semaphore_mem>>) src(%dma_wait3A_242 : memref<80x64xf32, #tpu.memory_space<vmem>>) dst(%dma_wait3A_239 : memref<80x64xf32, #tpu.memory_space<hbm>>)
          %dma_wait3A_243 = arith.constant 0 : i32
          %dma_wait3A_244 = arith.constant 0 : i32
          %dma_wait3A_245 = tpu.memref_slice %arg26[%dma_wait3A_243, %dma_wait3A_244] : memref<10112x80xf32, #tpu.memory_space<vmem_shared>> -> memref<10112x80xf32, #tpu.memory_space<vmem_shared>>
          tpu.wait_indirect_dma semaphore(%arg35 : memref<!tpu.dma_semaphore, #tpu.memory_space<semaphore_mem>>) src(%arg24 : memref<80x80xf32, #tpu.memory_space<vmem>>) dst(%dma_wait3A_245 : memref<10112x80xf32, #tpu.memory_space<vmem_shared>>)
          %dma_wait3A_246 = arith.constant 0 : i32
          %dma_wait3A_247 = arith.constant 0 : i32
          %dma_wait3A_248 = tpu.memref_slice %arg27[%dma_wait3A_246, %dma_wait3A_247] : memref<256x80xf32, #tpu.memory_space<vmem_shared>> -> memref<256x80xf32, #tpu.memory_space<vmem_shared>>
          tpu.wait_indirect_dma semaphore(%arg37 : memref<!tpu.dma_semaphore, #tpu.memory_space<semaphore_mem>>) src(%arg24 : memref<80x80xf32, #tpu.memory_space<vmem>>) dst(%dma_wait3A_248 : memref<256x80xf32, #tpu.memory_space<vmem_shared>>)
        } else {
        }
        %mul3A_198 = arith.constant 80 : i32
        %mul3A_199 = arith.muli %add3A_170, %mul3A_198 : i32
        %scan3A_200 = arith.constant 0 : i32
        %scan3A_201 = arith.constant 0 : i32
        %scan3A_202 = arith.constant 5 : i32
        %scan3A_203 = arith.addi %scan3A_201, %scan3A_202 : i32
        %scan3A_204 = arith.constant 1 : i32
        scf.for %scan3A_228 = %scan3A_201 to %scan3A_203 step %scan3A_204  : i32 {
          %mul3A_229 = arith.constant 16 : i32
          %mul3A_230 = arith.muli %scan3A_228, %mul3A_229 : i32
          %add3A_231 = arith.addi %mul3A_199, %mul3A_230 : i32
          %get3A = arith.index_cast %add3A_231 : i32 to index
          %get3A_232 = tpu.vector_load %arg12[%get3A] {strides = array<i32>} : memref<4000xi32, #tpu.memory_space<vmem>>, vector<16xi32>,
          %mul3A_233 = arith.constant 16 : i32
          %mul3A_234 = arith.muli %scan3A_228, %mul3A_233 : i32
          %swap3A = arith.index_cast %mul3A_234 : i32 to index
          %swap3A_235 = tpu.vector_load %arg16[%swap3A] {strides = array<i32>} : memref<80xi32, #tpu.memory_space<vmem>>, vector<16xi32>,
          tpu.vector_store %arg16[%swap3A], %get3A_232 {strides = array<i32>} : memref<80xi32, #tpu.memory_space<vmem>>, vector<16xi32>,
          %mul3A_236 = arith.constant 16 : i32
          %mul3A_237 = arith.muli %scan3A_228, %mul3A_236 : i32
          %get3A_238 = arith.index_cast %mul3A_237 : i32 to index
          %get3A_239 = tpu.vector_load %arg14[%get3A_238] {strides = array<i32>} : memref<80xi32, #tpu.memory_space<vmem>>, vector<16xi32>,
          %gather3A = tpu.vector_load_idx %arg10[%get3A_239] : memref<10000xi32, #tpu.memory_space<vmem>>[vector<16xi32>], vector<16xi32>,
          %mul3A_240 = arith.constant 16 : i32
          %mul3A_241 = arith.muli %arg1, %mul3A_240 : i32
          %add3A_242 = vector.broadcast %mul3A_241 : i32 to vector<16xi32>
          %add3A_243 = arith.addi %gather3A, %add3A_242 : vector<16xi32>
          %mul3A_244 = arith.constant 16 : i32
          %mul3A_245 = arith.muli %scan3A_228, %mul3A_244 : i32
          %swap3A_246 = arith.index_cast %mul3A_245 : i32 to index
          %swap3A_247 = tpu.vector_load %arg18[%swap3A_246] {strides = array<i32>} : memref<80xi32, #tpu.memory_space<vmem>>, vector<16xi32>,
          tpu.vector_store %arg18[%swap3A_246], %add3A_243 {strides = array<i32>} : memref<80xi32, #tpu.memory_space<vmem>>, vector<16xi32>,
        }
        %scan3A_205 = arith.constant 5 : i32
        %scan3A_206 = arith.constant 0 : i32
        %scan3A_207 = arith.constant 0 : i32
        %scan3A_208 = arith.constant 40 : i32
        %scan3A_209 = arith.addi %scan3A_207, %scan3A_208 : i32
        %scan3A_210 = arith.constant 1 : i32
        scf.for %scan3A_228 = %scan3A_207 to %scan3A_209 step %scan3A_210  : i32 {
          %mul3A_229 = arith.constant 2 : i32
          %mul3A_230 = arith.muli %mul3A_229, %scan3A_228 : i32
          %add3A_231 = arith.constant 0 : i32
          %add3A_232 = arith.addi %mul3A_230, %add3A_231 : i32
          %get3A = arith.index_cast %add3A_232 : i32 to index
          %get3A_233 = arith.constant 0 : index
          %get3A_234 = tpu.vector_load %arg20[%get3A, %get3A_233] {strides = array<i32>} : memref<80x64xf32, #tpu.memory_space<vmem>>, vector<16xf32>,
          %get3A_235 = arith.index_cast %add3A_232 : i32 to index
          %get3A_236 = arith.constant 0 : index
          %get3A_237 = tpu.vector_load %arg22[%get3A_235, %get3A_236] {strides = array<i32>} : memref<80x64xf32, #tpu.memory_space<vmem>>, vector<16xf32>,
          %add3A_238 = arith.addf %get3A_234, %get3A_237 : vector<16xf32>
          %max3A = arith.constant 0.000000e+00 : f32
          %max3A_239 = vector.broadcast %max3A : f32 to vector<16xf32>
          %max3A_240 = arith.maximumf %add3A_238, %max3A_239 : vector<16xf32>
          %swap3A = arith.index_cast %add3A_232 : i32 to index
          %swap3A_241 = arith.constant 0 : index
          %swap3A_242 = tpu.vector_load %arg24[%swap3A, %swap3A_241] {strides = array<i32>} : memref<80x80xf32, #tpu.memory_space<vmem>>, vector<16xf32>,
          tpu.vector_store %arg24[%swap3A, %swap3A_241], %max3A_240 {strides = array<i32>} : memref<80x80xf32, #tpu.memory_space<vmem>>, vector<16xf32>,
          %get3A_243 = arith.index_cast %add3A_232 : i32 to index
          %get3A_244 = arith.constant 16 : index
          %get3A_245 = tpu.vector_load %arg20[%get3A_243, %get3A_244] {strides = array<i32>} : memref<80x64xf32, #tpu.memory_space<vmem>>, vector<16xf32>,
          %get3A_246 = arith.index_cast %add3A_232 : i32 to index
          %get3A_247 = arith.constant 16 : index
          %get3A_248 = tpu.vector_load %arg22[%get3A_246, %get3A_247] {strides = array<i32>} : memref<80x64xf32, #tpu.memory_space<vmem>>, vector<16xf32>,
          %add3A_249 = arith.addf %get3A_245, %get3A_248 : vector<16xf32>
          %max3A_250 = arith.constant 0.000000e+00 : f32
          %max3A_251 = vector.broadcast %max3A_250 : f32 to vector<16xf32>
          %max3A_252 = arith.maximumf %add3A_249, %max3A_251 : vector<16xf32>
          %swap3A_253 = arith.index_cast %add3A_232 : i32 to index
          %swap3A_254 = arith.constant 16 : index
          %swap3A_255 = tpu.vector_load %arg24[%swap3A_253, %swap3A_254] {strides = array<i32>} : memref<80x80xf32, #tpu.memory_space<vmem>>, vector<16xf32>,
          tpu.vector_store %arg24[%swap3A_253, %swap3A_254], %max3A_252 {strides = array<i32>} : memref<80x80xf32, #tpu.memory_space<vmem>>, vector<16xf32>,
          %get3A_256 = arith.index_cast %add3A_232 : i32 to index
          %get3A_257 = arith.constant 32 : index
          %get3A_258 = tpu.vector_load %arg20[%get3A_256, %get3A_257] {strides = array<i32>} : memref<80x64xf32, #tpu.memory_space<vmem>>, vector<16xf32>,
          %get3A_259 = arith.index_cast %add3A_232 : i32 to index
          %get3A_260 = arith.constant 32 : index
          %get3A_261 = tpu.vector_load %arg22[%get3A_259, %get3A_260] {strides = array<i32>} : memref<80x64xf32, #tpu.memory_space<vmem>>, vector<16xf32>,
          %add3A_262 = arith.addf %get3A_258, %get3A_261 : vector<16xf32>
          %max3A_263 = arith.constant 0.000000e+00 : f32
          %max3A_264 = vector.broadcast %max3A_263 : f32 to vector<16xf32>
          %max3A_265 = arith.maximumf %add3A_262, %max3A_264 : vector<16xf32>
          %swap3A_266 = arith.index_cast %add3A_232 : i32 to index
          %swap3A_267 = arith.constant 32 : index
          %swap3A_268 = tpu.vector_load %arg24[%swap3A_266, %swap3A_267] {strides = array<i32>} : memref<80x80xf32, #tpu.memory_space<vmem>>, vector<16xf32>,
          tpu.vector_store %arg24[%swap3A_266, %swap3A_267], %max3A_265 {strides = array<i32>} : memref<80x80xf32, #tpu.memory_space<vmem>>, vector<16xf32>,
          %get3A_269 = arith.index_cast %add3A_232 : i32 to index
          %get3A_270 = arith.constant 48 : index
          %get3A_271 = tpu.vector_load %arg20[%get3A_269, %get3A_270] {strides = array<i32>} : memref<80x64xf32, #tpu.memory_space<vmem>>, vector<16xf32>,
          %get3A_272 = arith.index_cast %add3A_232 : i32 to index
          %get3A_273 = arith.constant 48 : index
          %get3A_274 = tpu.vector_load %arg22[%get3A_272, %get3A_273] {strides = array<i32>} : memref<80x64xf32, #tpu.memory_space<vmem>>, vector<16xf32>,
          %add3A_275 = arith.addf %get3A_271, %get3A_274 : vector<16xf32>
          %max3A_276 = arith.constant 0.000000e+00 : f32
          %max3A_277 = vector.broadcast %max3A_276 : f32 to vector<16xf32>
          %max3A_278 = arith.maximumf %add3A_275, %max3A_277 : vector<16xf32>
          %swap3A_279 = arith.index_cast %add3A_232 : i32 to index
          %swap3A_280 = arith.constant 48 : index
          %swap3A_281 = tpu.vector_load %arg24[%swap3A_279, %swap3A_280] {strides = array<i32>} : memref<80x80xf32, #tpu.memory_space<vmem>>, vector<16xf32>,
          tpu.vector_store %arg24[%swap3A_279, %swap3A_280], %max3A_278 {strides = array<i32>} : memref<80x80xf32, #tpu.memory_space<vmem>>, vector<16xf32>,
          %mul3A_282 = arith.constant 2 : i32
          %mul3A_283 = arith.muli %mul3A_282, %scan3A_228 : i32
          %add3A_284 = arith.constant 1 : i32
          %add3A_285 = arith.addi %mul3A_283, %add3A_284 : i32
          %get3A_286 = arith.index_cast %add3A_285 : i32 to index
          %get3A_287 = arith.constant 0 : index
          %get3A_288 = tpu.vector_load %arg20[%get3A_286, %get3A_287] {strides = array<i32>} : memref<80x64xf32, #tpu.memory_space<vmem>>, vector<16xf32>,
          %get3A_289 = arith.index_cast %add3A_285 : i32 to index
          %get3A_290 = arith.constant 0 : index
          %get3A_291 = tpu.vector_load %arg22[%get3A_289, %get3A_290] {strides = array<i32>} : memref<80x64xf32, #tpu.memory_space<vmem>>, vector<16xf32>,
          %add3A_292 = arith.addf %get3A_288, %get3A_291 : vector<16xf32>
          %max3A_293 = arith.constant 0.000000e+00 : f32
          %max3A_294 = vector.broadcast %max3A_293 : f32 to vector<16xf32>
          %max3A_295 = arith.maximumf %add3A_292, %max3A_294 : vector<16xf32>
          %swap3A_296 = arith.index_cast %add3A_285 : i32 to index
          %swap3A_297 = arith.constant 0 : index
          %swap3A_298 = tpu.vector_load %arg24[%swap3A_296, %swap3A_297] {strides = array<i32>} : memref<80x80xf32, #tpu.memory_space<vmem>>, vector<16xf32>,
          tpu.vector_store %arg24[%swap3A_296, %swap3A_297], %max3A_295 {strides = array<i32>} : memref<80x80xf32, #tpu.memory_space<vmem>>, vector<16xf32>,
          %get3A_299 = arith.index_cast %add3A_285 : i32 to index
          %get3A_300 = arith.constant 16 : index
          %get3A_301 = tpu.vector_load %arg20[%get3A_299, %get3A_300] {strides = array<i32>} : memref<80x64xf32, #tpu.memory_space<vmem>>, vector<16xf32>,
          %get3A_302 = arith.index_cast %add3A_285 : i32 to index
          %get3A_303 = arith.constant 16 : index
          %get3A_304 = tpu.vector_load %arg22[%get3A_302, %get3A_303] {strides = array<i32>} : memref<80x64xf32, #tpu.memory_space<vmem>>, vector<16xf32>,
          %add3A_305 = arith.addf %get3A_301, %get3A_304 : vector<16xf32>
          %max3A_306 = arith.constant 0.000000e+00 : f32
          %max3A_307 = vector.broadcast %max3A_306 : f32 to vector<16xf32>
          %max3A_308 = arith.maximumf %add3A_305, %max3A_307 : vector<16xf32>
          %swap3A_309 = arith.index_cast %add3A_285 : i32 to index
          %swap3A_310 = arith.constant 16 : index
          %swap3A_311 = tpu.vector_load %arg24[%swap3A_309, %swap3A_310] {strides = array<i32>} : memref<80x80xf32, #tpu.memory_space<vmem>>, vector<16xf32>,
          tpu.vector_store %arg24[%swap3A_309, %swap3A_310], %max3A_308 {strides = array<i32>} : memref<80x80xf32, #tpu.memory_space<vmem>>, vector<16xf32>,
          %get3A_312 = arith.index_cast %add3A_285 : i32 to index
          %get3A_313 = arith.constant 32 : index
          %get3A_314 = tpu.vector_load %arg20[%get3A_312, %get3A_313] {strides = array<i32>} : memref<80x64xf32, #tpu.memory_space<vmem>>, vector<16xf32>,
          %get3A_315 = arith.index_cast %add3A_285 : i32 to index
          %get3A_316 = arith.constant 32 : index
          %get3A_317 = tpu.vector_load %arg22[%get3A_315, %get3A_316] {strides = array<i32>} : memref<80x64xf32, #tpu.memory_space<vmem>>, vector<16xf32>,
          %add3A_318 = arith.addf %get3A_314, %get3A_317 : vector<16xf32>
          %max3A_319 = arith.constant 0.000000e+00 : f32
          %max3A_320 = vector.broadcast %max3A_319 : f32 to vector<16xf32>
          %max3A_321 = arith.maximumf %add3A_318, %max3A_320 : vector<16xf32>
          %swap3A_322 = arith.index_cast %add3A_285 : i32 to index
          %swap3A_323 = arith.constant 32 : index
          %swap3A_324 = tpu.vector_load %arg24[%swap3A_322, %swap3A_323] {strides = array<i32>} : memref<80x80xf32, #tpu.memory_space<vmem>>, vector<16xf32>,
          tpu.vector_store %arg24[%swap3A_322, %swap3A_323], %max3A_321 {strides = array<i32>} : memref<80x80xf32, #tpu.memory_space<vmem>>, vector<16xf32>,
          %get3A_325 = arith.index_cast %add3A_285 : i32 to index
          %get3A_326 = arith.constant 48 : index
          %get3A_327 = tpu.vector_load %arg20[%get3A_325, %get3A_326] {strides = array<i32>} : memref<80x64xf32, #tpu.memory_space<vmem>>, vector<16xf32>,
          %get3A_328 = arith.index_cast %add3A_285 : i32 to index
          %get3A_329 = arith.constant 48 : index
          %get3A_330 = tpu.vector_load %arg22[%get3A_328, %get3A_329] {strides = array<i32>} : memref<80x64xf32, #tpu.memory_space<vmem>>, vector<16xf32>,
          %add3A_331 = arith.addf %get3A_327, %get3A_330 : vector<16xf32>
          %max3A_332 = arith.constant 0.000000e+00 : f32
          %max3A_333 = vector.broadcast %max3A_332 : f32 to vector<16xf32>
          %max3A_334 = arith.maximumf %add3A_331, %max3A_333 : vector<16xf32>
          %swap3A_335 = arith.index_cast %add3A_285 : i32 to index
          %swap3A_336 = arith.constant 48 : index
          %swap3A_337 = tpu.vector_load %arg24[%swap3A_335, %swap3A_336] {strides = array<i32>} : memref<80x80xf32, #tpu.memory_space<vmem>>, vector<16xf32>,
          tpu.vector_store %arg24[%swap3A_335, %swap3A_336], %max3A_334 {strides = array<i32>} : memref<80x80xf32, #tpu.memory_space<vmem>>, vector<16xf32>,
        }
        %scan3A_211 = arith.constant 40 : i32
        %mul3A_212 = arith.constant 64 : i32
        %mul3A_213 = arith.muli %arg0, %mul3A_212 : i32
        %dma_start3A_214 = arith.constant 0 : i32
        %dma_start3A_215 = arith.constant 0 : i32
        %dma_start3A_216 = tpu.memref_slice %arg24[%dma_start3A_214, %dma_start3A_215] : memref<80x80xf32, #tpu.memory_space<vmem>> -> memref<80x64xf32, #tpu.memory_space<vmem>>
        %dma_start3A_217 = tpu.memref_slice %arg7[%multiple_of3A_174, %mul3A_213] : memref<320000x128xf32, #tpu.memory_space<hbm>> -> memref<80x64xf32, #tpu.memory_space<hbm>>
        %dma_start3A_218 = tpu.memref_slice %arg7[%multiple_of3A_174, %mul3A_213] : memref<320000x128xf32, #tpu.memory_space<hbm>> -> memref<80x64xf32, #tpu.memory_space<hbm>>
        %dma_start3A_219 = arith.constant 0 : i32
        %dma_start3A_220 = arith.constant 0 : i32
        %dma_start3A_221 = tpu.memref_slice %arg24[%dma_start3A_219, %dma_start3A_220] : memref<80x80xf32, #tpu.memory_space<vmem>> -> memref<80x64xf32, #tpu.memory_space<vmem>>
        tpu.enqueue_dma source(%dma_start3A_221 : memref<80x64xf32, #tpu.memory_space<vmem>>) target(%dma_start3A_218 : memref<80x64xf32, #tpu.memory_space<hbm>>) target_semaphore(%arg33 : memref<!tpu.dma_semaphore, #tpu.memory_space<semaphore_mem>>)
        %dma_start3A_222 = arith.constant 0 : i32
        %dma_start3A_223 = arith.constant 0 : i32
        %dma_start3A_224 = tpu.memref_slice %arg26[%dma_start3A_222, %dma_start3A_223] : memref<10112x80xf32, #tpu.memory_space<vmem_shared>> -> memref<10112x80xf32, #tpu.memory_space<vmem_shared>>
        tpu.enqueue_indirect_dma source(%arg24 : memref<80x80xf32, #tpu.memory_space<vmem>>) target(%dma_start3A_224 : memref<10112x80xf32, #tpu.memory_space<vmem_shared>>) offsets(%arg16 : memref<80xi32, #tpu.memory_space<vmem>>) semaphore(%arg35 : memref<!tpu.dma_semaphore, #tpu.memory_space<semaphore_mem>>) {add = true}
        %dma_start3A_225 = arith.constant 0 : i32
        %dma_start3A_226 = arith.constant 0 : i32
        %dma_start3A_227 = tpu.memref_slice %arg27[%dma_start3A_225, %dma_start3A_226] : memref<256x80xf32, #tpu.memory_space<vmem_shared>> -> memref<256x80xf32, #tpu.memory_space<vmem_shared>>
        tpu.enqueue_indirect_dma source(%arg24 : memref<80x80xf32, #tpu.memory_space<vmem>>) target(%dma_start3A_227 : memref<256x80xf32, #tpu.memory_space<vmem_shared>>) offsets(%arg18 : memref<80xi32, #tpu.memory_space<vmem>>) semaphore(%arg37 : memref<!tpu.dma_semaphore, #tpu.memory_space<semaphore_mem>>) {add = true}
      }
      %scan3A_73 = arith.constant 25 : i32
      %add3A_74 = arith.constant 3840 : i32
      %add3A_75 = arith.addi %multiple_of3A_48, %add3A_74 : i32
      %multiple_of3A_76 = tpu.assume_multiple %add3A_75, 8 : i32
      %mul3A_77 = arith.constant 64 : i32
      %mul3A_78 = arith.muli %arg0, %mul3A_77 : i32
      %dma_wait3A = arith.constant 0 : i32
      %dma_wait3A_79 = arith.constant 0 : i32
      %dma_wait3A_80 = tpu.memref_slice %arg23[%dma_wait3A, %dma_wait3A_79] : memref<80x80xf32, #tpu.memory_space<vmem>> -> memref<80x64xf32, #tpu.memory_space<vmem>>
      %dma_wait3A_81 = tpu.memref_slice %arg7[%multiple_of3A_76, %mul3A_78] : memref<320000x128xf32, #tpu.memory_space<hbm>> -> memref<80x64xf32, #tpu.memory_space<hbm>>
      %dma_wait3A_82 = tpu.memref_slice %arg7[%multiple_of3A_76, %mul3A_78] : memref<320000x128xf32, #tpu.memory_space<hbm>> -> memref<80x64xf32, #tpu.memory_space<hbm>>
      %dma_wait3A_83 = arith.constant 0 : i32
      %dma_wait3A_84 = arith.constant 0 : i32
      %dma_wait3A_85 = tpu.memref_slice %arg23[%dma_wait3A_83, %dma_wait3A_84] : memref<80x80xf32, #tpu.memory_space<vmem>> -> memref<80x64xf32, #tpu.memory_space<vmem>>
      tpu.wait_dma2 semaphore(%arg32 : memref<!tpu.dma_semaphore, #tpu.memory_space<semaphore_mem>>) src(%dma_wait3A_85 : memref<80x64xf32, #tpu.memory_space<vmem>>) dst(%dma_wait3A_82 : memref<80x64xf32, #tpu.memory_space<hbm>>)
      %dma_wait3A_86 = arith.constant 0 : i32
      %dma_wait3A_87 = arith.constant 0 : i32
      %dma_wait3A_88 = tpu.memref_slice %arg26[%dma_wait3A_86, %dma_wait3A_87] : memref<10112x80xf32, #tpu.memory_space<vmem_shared>> -> memref<10112x80xf32, #tpu.memory_space<vmem_shared>>
      tpu.wait_indirect_dma semaphore(%arg34 : memref<!tpu.dma_semaphore, #tpu.memory_space<semaphore_mem>>) src(%arg23 : memref<80x80xf32, #tpu.memory_space<vmem>>) dst(%dma_wait3A_88 : memref<10112x80xf32, #tpu.memory_space<vmem_shared>>)
      %dma_wait3A_89 = arith.constant 0 : i32
      %dma_wait3A_90 = arith.constant 0 : i32
      %dma_wait3A_91 = tpu.memref_slice %arg27[%dma_wait3A_89, %dma_wait3A_90] : memref<256x80xf32, #tpu.memory_space<vmem_shared>> -> memref<256x80xf32, #tpu.memory_space<vmem_shared>>
      tpu.wait_indirect_dma semaphore(%arg36 : memref<!tpu.dma_semaphore, #tpu.memory_space<semaphore_mem>>) src(%arg23 : memref<80x80xf32, #tpu.memory_space<vmem>>) dst(%dma_wait3A_91 : memref<256x80xf32, #tpu.memory_space<vmem_shared>>)
      %add3A_92 = arith.constant 3920 : i32
      %add3A_93 = arith.addi %multiple_of3A_48, %add3A_92 : i32
      %multiple_of3A_94 = tpu.assume_multiple %add3A_93, 8 : i32
      %mul3A_95 = arith.constant 64 : i32
      %mul3A_96 = arith.muli %arg0, %mul3A_95 : i32
      %dma_wait3A_97 = arith.constant 0 : i32
      %dma_wait3A_98 = arith.constant 0 : i32
      %dma_wait3A_99 = tpu.memref_slice %arg24[%dma_wait3A_97, %dma_wait3A_98] : memref<80x80xf32, #tpu.memory_space<vmem>> -> memref<80x64xf32, #tpu.memory_space<vmem>>
      %dma_wait3A_100 = tpu.memref_slice %arg7[%multiple_of3A_94, %mul3A_96] : memref<320000x128xf32, #tpu.memory_space<hbm>> -> memref<80x64xf32, #tpu.memory_space<hbm>>
      %dma_wait3A_101 = tpu.memref_slice %arg7[%multiple_of3A_94, %mul3A_96] : memref<320000x128xf32, #tpu.memory_space<hbm>> -> memref<80x64xf32, #tpu.memory_space<hbm>>
      %dma_wait3A_102 = arith.constant 0 : i32
      %dma_wait3A_103 = arith.constant 0 : i32
      %dma_wait3A_104 = tpu.memref_slice %arg24[%dma_wait3A_102, %dma_wait3A_103] : memref<80x80xf32, #tpu.memory_space<vmem>> -> memref<80x64xf32, #tpu.memory_space<vmem>>
      tpu.wait_dma2 semaphore(%arg33 : memref<!tpu.dma_semaphore, #tpu.memory_space<semaphore_mem>>) src(%dma_wait3A_104 : memref<80x64xf32, #tpu.memory_space<vmem>>) dst(%dma_wait3A_101 : memref<80x64xf32, #tpu.memory_space<hbm>>)
      %dma_wait3A_105 = arith.constant 0 : i32
      %dma_wait3A_106 = arith.constant 0 : i32
      %dma_wait3A_107 = tpu.memref_slice %arg26[%dma_wait3A_105, %dma_wait3A_106] : memref<10112x80xf32, #tpu.memory_space<vmem_shared>> -> memref<10112x80xf32, #tpu.memory_space<vmem_shared>>
      tpu.wait_indirect_dma semaphore(%arg35 : memref<!tpu.dma_semaphore, #tpu.memory_space<semaphore_mem>>) src(%arg24 : memref<80x80xf32, #tpu.memory_space<vmem>>) dst(%dma_wait3A_107 : memref<10112x80xf32, #tpu.memory_space<vmem_shared>>)
      %dma_wait3A_108 = arith.constant 0 : i32
      %dma_wait3A_109 = arith.constant 0 : i32
      %dma_wait3A_110 = tpu.memref_slice %arg27[%dma_wait3A_108, %dma_wait3A_109] : memref<256x80xf32, #tpu.memory_space<vmem_shared>> -> memref<256x80xf32, #tpu.memory_space<vmem_shared>>
      tpu.wait_indirect_dma semaphore(%arg37 : memref<!tpu.dma_semaphore, #tpu.memory_space<semaphore_mem>>) src(%arg24 : memref<80x80xf32, #tpu.memory_space<vmem>>) dst(%dma_wait3A_110 : memref<256x80xf32, #tpu.memory_space<vmem_shared>>)
    }
    %scan3A_34 = arith.constant 5 : i32
    %barrier3A_35 = arith.constant 0 : index
    tpu.barrier barrier_id(%barrier3A_35)
    %mul3A_36 = arith.constant 632 : i32
    %mul3A_37 = arith.muli %arg1, %mul3A_36 : i32
    %mul3A_38 = arith.constant 632 : i32
    %mul3A_39 = arith.muli %arg1, %mul3A_38 : i32
    "tpu.region"() ({
      %run_scoped3A = tpu.sem_alloc : memref<!tpu.dma_semaphore, #tpu.memory_space<semaphore_mem>>
      %dma_start3A = arith.constant 0 : i32
      %dma_start3A_44 = tpu.memref_slice %arg8[%arg0, %mul3A_39, %dma_start3A] : memref<2x10112x80xf32, #tpu.memory_space<hbm>> -> memref<1x632x80xf32, #tpu.memory_space<hbm>>
      %dma_start3A_45 = tpu.memref_squeeze %dma_start3A_44 : memref<1x632x80xf32, #tpu.memory_space<hbm>> -> memref<632x80xf32, #tpu.memory_space<hbm>>
      %dma_start3A_46 = arith.constant 0 : i32
      %dma_start3A_47 = tpu.memref_slice %arg26[%mul3A_37, %dma_start3A_46] : memref<10112x80xf32, #tpu.memory_space<vmem_shared>> -> memref<632x80xf32, #tpu.memory_space<vmem_shared>>
      tpu.enqueue_dma source(%dma_start3A_47 : memref<632x80xf32, #tpu.memory_space<vmem_shared>>) target(%dma_start3A_45 : memref<632x80xf32, #tpu.memory_space<hbm>>) target_semaphore(%run_scoped3A : memref<!tpu.dma_semaphore, #tpu.memory_space<semaphore_mem>>)
      %dma_wait3A = arith.constant 0 : i32
      %dma_wait3A_48 = tpu.memref_slice %arg8[%arg0, %mul3A_39, %dma_wait3A] : memref<2x10112x80xf32, #tpu.memory_space<hbm>> -> memref<1x632x80xf32, #tpu.memory_space<hbm>>
      %dma_wait3A_49 = tpu.memref_squeeze %dma_wait3A_48 : memref<1x632x80xf32, #tpu.memory_space<hbm>> -> memref<632x80xf32, #tpu.memory_space<hbm>>
      %dma_wait3A_50 = arith.constant 0 : i32
      %dma_wait3A_51 = tpu.memref_slice %arg26[%mul3A_37, %dma_wait3A_50] : memref<10112x80xf32, #tpu.memory_space<vmem_shared>> -> memref<632x80xf32, #tpu.memory_space<vmem_shared>>
      tpu.wait_dma2 semaphore(%run_scoped3A : memref<!tpu.dma_semaphore, #tpu.memory_space<semaphore_mem>>) src(%dma_wait3A_51 : memref<632x80xf32, #tpu.memory_space<vmem_shared>>) dst(%dma_wait3A_49 : memref<632x80xf32, #tpu.memory_space<hbm>>)
      tpu.yield
    }) : () -> ()
    %mul3A_40 = arith.constant 16 : i32
    %mul3A_41 = arith.muli %arg1, %mul3A_40 : i32
    %mul3A_42 = arith.constant 16 : i32
    %mul3A_43 = arith.muli %arg1, %mul3A_42 : i32
    "tpu.region"() ({
      %run_scoped3A = tpu.sem_alloc : memref<!tpu.dma_semaphore, #tpu.memory_space<semaphore_mem>>
      %dma_start3A = arith.constant 0 : i32
      %dma_start3A_44 = tpu.memref_slice %arg9[%arg0, %mul3A_43, %dma_start3A] : memref<2x256x80xf32, #tpu.memory_space<hbm>> -> memref<1x16x80xf32, #tpu.memory_space<hbm>>
      %dma_start3A_45 = tpu.memref_squeeze %dma_start3A_44 : memref<1x16x80xf32, #tpu.memory_space<hbm>> -> memref<16x80xf32, #tpu.memory_space<hbm>>
      %dma_start3A_46 = arith.constant 0 : i32
      %dma_start3A_47 = tpu.memref_slice %arg27[%mul3A_41, %dma_start3A_46] : memref<256x80xf32, #tpu.memory_space<vmem_shared>> -> memref<16x80xf32, #tpu.memory_space<vmem_shared>>
      tpu.enqueue_dma source(%dma_start3A_47 : memref<16x80xf32, #tpu.memory_space<vmem_shared>>) target(%dma_start3A_45 : memref<16x80xf32, #tpu.memory_space<hbm>>) target_semaphore(%run_scoped3A : memref<!tpu.dma_semaphore, #tpu.memory_space<semaphore_mem>>)
      %dma_wait3A = arith.constant 0 : i32
      %dma_wait3A_48 = tpu.memref_slice %arg9[%arg0, %mul3A_43, %dma_wait3A] : memref<2x256x80xf32, #tpu.memory_space<hbm>> -> memref<1x16x80xf32, #tpu.memory_space<hbm>>
      %dma_wait3A_49 = tpu.memref_squeeze %dma_wait3A_48 : memref<1x16x80xf32, #tpu.memory_space<hbm>> -> memref<16x80xf32, #tpu.memory_space<hbm>>
      %dma_wait3A_50 = arith.constant 0 : i32
      %dma_wait3A_51 = tpu.memref_slice %arg27[%mul3A_41, %dma_wait3A_50] : memref<256x80xf32, #tpu.memory_space<vmem_shared>> -> memref<16x80xf32, #tpu.memory_space<vmem_shared>>
      tpu.wait_dma2 semaphore(%run_scoped3A : memref<!tpu.dma_semaphore, #tpu.memory_space<semaphore_mem>>) src(%dma_wait3A_51 : memref<16x80xf32, #tpu.memory_space<vmem_shared>>) dst(%dma_wait3A_49 : memref<16x80xf32, #tpu.memory_space<hbm>>)
      tpu.yield
    }) : () -> ()
    return
  }
}

module attributes {stable_mosaic.version = 14 : i64} {
  func.func @_node_pre_body(%arg0: memref<10000x128xf32, #tpu.memory_space<vmem>>, %arg1: memref<10000x1xi32, #tpu.memory_space<vmem>>, %arg2: memref<16x64xf32, #tpu.memory_space<vmem>>, %arg3: memref<208x128xf32, #tpu.memory_space<vmem>>, %arg4: memref<128xf32, #tpu.memory_space<vmem>>, %arg5: memref<2x10000x64xf32, #tpu.memory_space<vmem>>) attributes {dimension_semantics = [], scalar_prefetch = 0 : i64, scratch_operands = 0 : i64, tpu.core_type = #tpu.core_type<tc>} {
    %get3A = arith.constant 0 : index
    %get3A_0 = arith.constant 0 : index
    %get3A_1 = vector.load %arg3[%get3A, %get3A_0] : memref<208x128xf32, #tpu.memory_space<vmem>>, vector<208x128xf32>
    %get3A_2 = arith.constant 0 : index
    %get3A_3 = arith.constant 0 : index
    %get3A_4 = vector.load %arg2[%get3A_2, %get3A_3] : memref<16x64xf32, #tpu.memory_space<vmem>>, vector<16x64xf32>
    %slice3A = vector.extract_strided_slice %get3A_1 {offsets = [144, 0], sizes = [64, 128], strides = [1, 1]} : vector<208x128xf32> to vector<64x128xf32>
    %dot_general3A = arith.constant dense<0.000000e+00> : vector<16x128xf32>
    %dot_general3A_5 = tpu.matmul %get3A_4, %slice3A, %dot_general3A {dimension_numbers = #tpu.dot_dimension_numbers<[1], [0], [0], [1], [0, 0, 1, 1], [], []>, transpose_lhs_hint = false} : vector<16x64xf32>, vector<64x128xf32>, vector<16x128xf32> -> vector<16x128xf32>
    %get3A_6 = arith.constant 0 : index
    %get3A_7 = arith.constant 0 : index
    %get3A_8 = vector.load %arg1[%get3A_6, %get3A_7] : memref<10000x1xi32, #tpu.memory_space<vmem>>, vector<10000x1xi32>
    %iota3A = tpu.iota {dimensions = array<i32: 1>} : vector<1x16xi32>
    %eq3A = vector.broadcast %get3A_8 : vector<10000x1xi32> to vector<10000x16xi32>
    %eq3A_9 = vector.broadcast %iota3A : vector<1x16xi32> to vector<10000x16xi32>
    %eq3A_10 = arith.cmpi eq, %eq3A, %eq3A_9 : vector<10000x16xi32>
    %convert_element_type3A = arith.extui %eq3A_10 : vector<10000x16xi1> to vector<10000x16xi32>
    %convert_element_type3A_11 = arith.sitofp %convert_element_type3A : vector<10000x16xi32> to vector<10000x16xf32>
    %get3A_12 = arith.constant 0 : index
    %get3A_13 = arith.constant 0 : index
    %get3A_14 = vector.load %arg0[%get3A_12, %get3A_13] : memref<10000x128xf32, #tpu.memory_space<vmem>>, vector<10000x128xf32>
    %slice3A_15 = vector.extract_strided_slice %get3A_1 {offsets = [0, 0], sizes = [128, 128], strides = [1, 1]} : vector<208x128xf32> to vector<128x128xf32>
    %dot_general3A_16 = arith.constant dense<0.000000e+00> : vector<10000x128xf32>
    %dot_general3A_17 = tpu.matmul %get3A_14, %slice3A_15, %dot_general3A_16 {dimension_numbers = #tpu.dot_dimension_numbers<[1], [0], [0], [1], [0, 0, 1, 1], [], []>, transpose_lhs_hint = false} : vector<10000x128xf32>, vector<128x128xf32>, vector<10000x128xf32> -> vector<10000x128xf32>
    %dot_general3A_18 = arith.constant dense<0.000000e+00> : vector<10000x128xf32>
    %dot_general3A_19 = tpu.matmul %convert_element_type3A_11, %dot_general3A_5, %dot_general3A_18 {dimension_numbers = #tpu.dot_dimension_numbers<[1], [0], [0], [1], [0, 0, 1, 1], [], []>, transpose_lhs_hint = false} : vector<10000x16xf32>, vector<16x128xf32>, vector<10000x128xf32> -> vector<10000x128xf32>
    %add3A = arith.addf %dot_general3A_17, %dot_general3A_19 : vector<10000x128xf32>
    %get3A_20 = arith.constant 0 : index
    %get3A_21 = vector.load %arg4[%get3A_20] : memref<128xf32, #tpu.memory_space<vmem>>, vector<128xf32>
    %broadcast_in_dim3A = vector.shape_cast %get3A_21 : vector<128xf32> to vector<1x128xf32>
    %add3A_22 = vector.broadcast %broadcast_in_dim3A : vector<1x128xf32> to vector<10000x128xf32>
    %add3A_23 = arith.addf %add3A, %add3A_22 : vector<10000x128xf32>
    %slice3A_24 = vector.extract_strided_slice %add3A_23 {offsets = [0, 0], sizes = [10000, 64], strides = [1, 1]} : vector<10000x128xf32> to vector<10000x64xf32>
    %swap3A = arith.constant 0 : index
    %swap3A_25 = arith.constant 0 : index
    %swap3A_26 = arith.constant 0 : index
    %swap3A_27 = vector.load %arg5[%swap3A, %swap3A_25, %swap3A_26] : memref<2x10000x64xf32, #tpu.memory_space<vmem>>, vector<1x10000x64xf32>
    %swap3A_28 = vector.shape_cast %swap3A_27 : vector<1x10000x64xf32> to vector<10000x64xf32>
    %swap3A_29 = vector.shape_cast %slice3A_24 : vector<10000x64xf32> to vector<1x10000x64xf32>
    tpu.vector_store %arg5[%swap3A, %swap3A_25, %swap3A_26], %swap3A_29 {strides = array<i32>} : memref<2x10000x64xf32, #tpu.memory_space<vmem>>, vector<1x10000x64xf32>,
    %slice3A_30 = vector.extract_strided_slice %add3A_23 {offsets = [0, 64], sizes = [10000, 64], strides = [1, 1]} : vector<10000x128xf32> to vector<10000x64xf32>
    %swap3A_31 = arith.constant 1 : index
    %swap3A_32 = arith.constant 0 : index
    %swap3A_33 = arith.constant 0 : index
    %swap3A_34 = vector.load %arg5[%swap3A_31, %swap3A_32, %swap3A_33] : memref<2x10000x64xf32, #tpu.memory_space<vmem>>, vector<1x10000x64xf32>
    %swap3A_35 = vector.shape_cast %swap3A_34 : vector<1x10000x64xf32> to vector<10000x64xf32>
    %swap3A_36 = vector.shape_cast %slice3A_30 : vector<10000x64xf32> to vector<1x10000x64xf32>
    tpu.vector_store %arg5[%swap3A_31, %swap3A_32, %swap3A_33], %swap3A_36 {strides = array<i32>} : memref<2x10000x64xf32, #tpu.memory_space<vmem>>, vector<1x10000x64xf32>,
    return
  }
}

module attributes {stable_mosaic.version = 14 : i64} {
  func.func @_eat_body(%arg0: i32, %arg1: memref<8000x16xf32, #tpu.memory_space<vmem>>, %arg2: memref<208x128xf32, #tpu.memory_space<vmem>>, %arg3: memref<8000x128xf32, #tpu.memory_space<vmem>>) attributes {dimension_semantics = [#tpu.dimension_semantics<arbitrary>], iteration_bounds = array<i64: 40>, scalar_prefetch = 0 : i64, scratch_operands = 0 : i64, tpu.core_type = #tpu.core_type<tc>, window_params = [{transform_indices = @transform_0, window_bounds = array<i64: 8000, 16>}, {pipeline_mode = #tpu.pipeline_mode<synchronous>, transform_indices = @transform_1, window_bounds = array<i64: 208, 128>}, {transform_indices = @transform_2, window_bounds = array<i64: 8000, 128>}]} {
    %get3A = arith.constant 0 : index
    %get3A_0 = arith.constant 0 : index
    %get3A_1 = vector.load %arg1[%get3A, %get3A_0] : memref<8000x16xf32, #tpu.memory_space<vmem>>, vector<8000x16xf32>
    %get3A_2 = arith.constant 128 : index
    %get3A_3 = arith.constant 0 : index
    %get3A_4 = vector.load %arg2[%get3A_2, %get3A_3] : memref<208x128xf32, #tpu.memory_space<vmem>>, vector<16x128xf32>
    %dot_general3A = arith.constant dense<0.000000e+00> : vector<8000x128xf32>
    %dot_general3A_5 = tpu.matmul %get3A_1, %get3A_4, %dot_general3A {dimension_numbers = #tpu.dot_dimension_numbers<[1], [0], [0], [1], [0, 0, 1, 1], [], []>, transpose_lhs_hint = false} : vector<8000x16xf32>, vector<16x128xf32>, vector<8000x128xf32> -> vector<8000x128xf32>
    %swap3A = arith.constant 0 : index
    %swap3A_6 = arith.constant 0 : index
    %swap3A_7 = vector.load %arg3[%swap3A, %swap3A_6] : memref<8000x128xf32, #tpu.memory_space<vmem>>, vector<8000x128xf32>
    tpu.vector_store %arg3[%swap3A, %swap3A_6], %dot_general3A_5 {strides = array<i32>} : memref<8000x128xf32, #tpu.memory_space<vmem>>, vector<8000x128xf32>,
    return
  }
  func.func @transform_0(%arg0: i32) -> (i32, i32) {
    %c0_i32 = arith.constant 0 : i32
    %c0_i32_0 = arith.constant 0 : i32
    return %arg0, %c0_i32 : i32, i32
  }
  func.func @transform_1(%arg0: i32) -> (i32, i32) {
    %c0_i32 = arith.constant 0 : i32
    %c0_i32_0 = arith.constant 0 : i32
    %c0_i32_1 = arith.constant 0 : i32
    return %c0_i32, %c0_i32_0 : i32, i32
  }
  func.func @transform_2(%arg0: i32) -> (i32, i32) {
    %c0_i32 = arith.constant 0 : i32
    %c0_i32_0 = arith.constant 0 : i32
    return %arg0, %c0_i32 : i32, i32
  }
}

module attributes {stable_mosaic.version = 14 : i64} {
  func.func @_final_body(%arg0: memref<10000x128xf32, #tpu.memory_space<vmem>>, %arg1: memref<10000x1xi32, #tpu.memory_space<vmem>>, %arg2: memref<16x64xf32, #tpu.memory_space<vmem>>, %arg3: memref<10112x80xf32, #tpu.memory_space<vmem>>, %arg4: memref<10112x80xf32, #tpu.memory_space<vmem>>, %arg5: memref<256x80xf32, #tpu.memory_space<vmem>>, %arg6: memref<256x80xf32, #tpu.memory_space<vmem>>, %arg7: memref<320x128xf32, #tpu.memory_space<vmem>>, %arg8: memref<128xf32, #tpu.memory_space<vmem>>, %arg9: memref<320x64xf32, #tpu.memory_space<vmem>>, %arg10: memref<64xf32, #tpu.memory_space<vmem>>, %arg11: memref<10000x128xf32, #tpu.memory_space<vmem>>, %arg12: memref<16x64xf32, #tpu.memory_space<vmem>>) attributes {dimension_semantics = [], scalar_prefetch = 0 : i64, scratch_operands = 0 : i64, tpu.core_type = #tpu.core_type<tc>} {
    %get3A = arith.constant 0 : index
    %get3A_0 = arith.constant 0 : index
    %get3A_1 = vector.load %arg3[%get3A, %get3A_0] : memref<10112x80xf32, #tpu.memory_space<vmem>>, vector<10112x80xf32>
    %get3A_2 = arith.constant 0 : index
    %get3A_3 = arith.constant 0 : index
    %get3A_4 = vector.load %arg4[%get3A_2, %get3A_3] : memref<10112x80xf32, #tpu.memory_space<vmem>>, vector<10112x80xf32>
    %slice3A = vector.extract_strided_slice %get3A_1 {offsets = [0, 64], sizes = [10000, 1], strides = [1, 1]} : vector<10112x80xf32> to vector<10000x1xf32>
    %max3A = arith.constant 1.000000e+00 : f32
    %max3A_5 = vector.broadcast %max3A : f32 to vector<10000x1xf32>
    %max3A_6 = arith.maximumf %slice3A, %max3A_5 : vector<10000x1xf32>
    %slice3A_7 = vector.extract_strided_slice %get3A_1 {offsets = [0, 0], sizes = [10000, 64], strides = [1, 1]} : vector<10112x80xf32> to vector<10000x64xf32>
    %div3A = vector.broadcast %max3A_6 : vector<10000x1xf32> to vector<10000x64xf32>
    %div3A_8 = arith.divf %slice3A_7, %div3A : vector<10000x64xf32>
    %slice3A_9 = vector.extract_strided_slice %get3A_4 {offsets = [0, 0], sizes = [10000, 64], strides = [1, 1]} : vector<10112x80xf32> to vector<10000x64xf32>
    %div3A_10 = vector.broadcast %max3A_6 : vector<10000x1xf32> to vector<10000x64xf32>
    %div3A_11 = arith.divf %slice3A_9, %div3A_10 : vector<10000x64xf32>
    %get3A_12 = arith.constant 0 : index
    %get3A_13 = arith.constant 0 : index
    %get3A_14 = vector.load %arg7[%get3A_12, %get3A_13] : memref<320x128xf32, #tpu.memory_space<vmem>>, vector<320x128xf32>
    %get3A_15 = arith.constant 0 : index
    %get3A_16 = arith.constant 0 : index
    %get3A_17 = vector.load %arg2[%get3A_15, %get3A_16] : memref<16x64xf32, #tpu.memory_space<vmem>>, vector<16x64xf32>
    %slice3A_18 = vector.extract_strided_slice %get3A_14 {offsets = [256, 0], sizes = [64, 128], strides = [1, 1]} : vector<320x128xf32> to vector<64x128xf32>
    %dot_general3A = arith.constant dense<0.000000e+00> : vector<16x128xf32>
    %dot_general3A_19 = tpu.matmul %get3A_17, %slice3A_18, %dot_general3A {dimension_numbers = #tpu.dot_dimension_numbers<[1], [0], [0], [1], [0, 0, 1, 1], [], []>, transpose_lhs_hint = false} : vector<16x64xf32>, vector<64x128xf32>, vector<16x128xf32> -> vector<16x128xf32>
    %get3A_20 = arith.constant 0 : index
    %get3A_21 = arith.constant 0 : index
    %get3A_22 = vector.load %arg1[%get3A_20, %get3A_21] : memref<10000x1xi32, #tpu.memory_space<vmem>>, vector<10000x1xi32>
    %iota3A = tpu.iota {dimensions = array<i32: 1>} : vector<1x16xi32>
    %eq3A = vector.broadcast %get3A_22 : vector<10000x1xi32> to vector<10000x16xi32>
    %eq3A_23 = vector.broadcast %iota3A : vector<1x16xi32> to vector<10000x16xi32>
    %eq3A_24 = arith.cmpi eq, %eq3A, %eq3A_23 : vector<10000x16xi32>
    %convert_element_type3A = arith.extui %eq3A_24 : vector<10000x16xi1> to vector<10000x16xi32>
    %convert_element_type3A_25 = arith.sitofp %convert_element_type3A : vector<10000x16xi32> to vector<10000x16xf32>
    %get3A_26 = arith.constant 0 : index
    %get3A_27 = arith.constant 0 : index
    %get3A_28 = vector.load %arg0[%get3A_26, %get3A_27] : memref<10000x128xf32, #tpu.memory_space<vmem>>, vector<10000x128xf32>
    %slice3A_29 = vector.extract_strided_slice %get3A_14 {offsets = [0, 0], sizes = [128, 128], strides = [1, 1]} : vector<320x128xf32> to vector<128x128xf32>
    %dot_general3A_30 = arith.constant dense<0.000000e+00> : vector<10000x128xf32>
    %dot_general3A_31 = tpu.matmul %get3A_28, %slice3A_29, %dot_general3A_30 {dimension_numbers = #tpu.dot_dimension_numbers<[1], [0], [0], [1], [0, 0, 1, 1], [], []>, transpose_lhs_hint = false} : vector<10000x128xf32>, vector<128x128xf32>, vector<10000x128xf32> -> vector<10000x128xf32>
    %slice3A_32 = vector.extract_strided_slice %get3A_14 {offsets = [128, 0], sizes = [64, 128], strides = [1, 1]} : vector<320x128xf32> to vector<64x128xf32>
    %dot_general3A_33 = arith.constant dense<0.000000e+00> : vector<10000x128xf32>
    %dot_general3A_34 = tpu.matmul %div3A_8, %slice3A_32, %dot_general3A_33 {dimension_numbers = #tpu.dot_dimension_numbers<[1], [0], [0], [1], [0, 0, 1, 1], [], []>, transpose_lhs_hint = false} : vector<10000x64xf32>, vector<64x128xf32>, vector<10000x128xf32> -> vector<10000x128xf32>
    %add3A = arith.addf %dot_general3A_31, %dot_general3A_34 : vector<10000x128xf32>
    %slice3A_35 = vector.extract_strided_slice %get3A_14 {offsets = [192, 0], sizes = [64, 128], strides = [1, 1]} : vector<320x128xf32> to vector<64x128xf32>
    %dot_general3A_36 = arith.constant dense<0.000000e+00> : vector<10000x128xf32>
    %dot_general3A_37 = tpu.matmul %div3A_11, %slice3A_35, %dot_general3A_36 {dimension_numbers = #tpu.dot_dimension_numbers<[1], [0], [0], [1], [0, 0, 1, 1], [], []>, transpose_lhs_hint = false} : vector<10000x64xf32>, vector<64x128xf32>, vector<10000x128xf32> -> vector<10000x128xf32>
    %add3A_38 = arith.addf %add3A, %dot_general3A_37 : vector<10000x128xf32>
    %dot_general3A_39 = arith.constant dense<0.000000e+00> : vector<10000x128xf32>
    %dot_general3A_40 = tpu.matmul %convert_element_type3A_25, %dot_general3A_19, %dot_general3A_39 {dimension_numbers = #tpu.dot_dimension_numbers<[1], [0], [0], [1], [0, 0, 1, 1], [], []>, transpose_lhs_hint = false} : vector<10000x16xf32>, vector<16x128xf32>, vector<10000x128xf32> -> vector<10000x128xf32>
    %add3A_41 = arith.addf %add3A_38, %dot_general3A_40 : vector<10000x128xf32>
    %get3A_42 = arith.constant 0 : index
    %get3A_43 = vector.load %arg8[%get3A_42] : memref<128xf32, #tpu.memory_space<vmem>>, vector<128xf32>
    %broadcast_in_dim3A = vector.shape_cast %get3A_43 : vector<128xf32> to vector<1x128xf32>
    %add3A_44 = vector.broadcast %broadcast_in_dim3A : vector<1x128xf32> to vector<10000x128xf32>
    %add3A_45 = arith.addf %add3A_41, %add3A_44 : vector<10000x128xf32>
    %max3A_46 = arith.constant 0.000000e+00 : f32
    %max3A_47 = vector.broadcast %max3A_46 : f32 to vector<10000x128xf32>
    %max3A_48 = arith.maximumf %add3A_45, %max3A_47 : vector<10000x128xf32>
    %swap3A = arith.constant 0 : index
    %swap3A_49 = arith.constant 0 : index
    %swap3A_50 = vector.load %arg11[%swap3A, %swap3A_49] : memref<10000x128xf32, #tpu.memory_space<vmem>>, vector<10000x128xf32>
    tpu.vector_store %arg11[%swap3A, %swap3A_49], %max3A_48 {strides = array<i32>} : memref<10000x128xf32, #tpu.memory_space<vmem>>, vector<10000x128xf32>,
    %dot_general3A_51 = arith.constant dense<0.000000e+00> : vector<16x128xf32>
    %dot_general3A_52 = tpu.matmul %convert_element_type3A_25, %max3A_48, %dot_general3A_51 {dimension_numbers = #tpu.dot_dimension_numbers<[0], [0], [1], [1], [0, 1, 1, 1], [], []>, transpose_lhs_hint = false} : vector<10000x16xf32>, vector<10000x128xf32>, vector<16x128xf32> -> vector<16x128xf32>
    %broadcast_in_dim3A_53 = arith.constant 1.000000e+00 : f32
    %broadcast_in_dim3A_54 = vector.broadcast %broadcast_in_dim3A_53 : f32 to vector<10000x1xf32>
    %dot_general3A_55 = arith.constant dense<0.000000e+00> : vector<16x1xf32>
    %dot_general3A_56 = tpu.matmul %convert_element_type3A_25, %broadcast_in_dim3A_54, %dot_general3A_55 {dimension_numbers = #tpu.dot_dimension_numbers<[0], [0], [1], [1], [0, 1, 1, 1], [], []>, transpose_lhs_hint = false} : vector<10000x16xf32>, vector<10000x1xf32>, vector<16x1xf32> -> vector<16x1xf32>
    %max3A_57 = arith.constant 1.000000e+00 : f32
    %max3A_58 = vector.broadcast %max3A_57 : f32 to vector<16x1xf32>
    %max3A_59 = arith.maximumf %dot_general3A_56, %max3A_58 : vector<16x1xf32>
    %div3A_60 = vector.broadcast %max3A_59 : vector<16x1xf32> to vector<16x128xf32>
    %div3A_61 = arith.divf %dot_general3A_52, %div3A_60 : vector<16x128xf32>
    %get3A_62 = arith.constant 0 : index
    %get3A_63 = arith.constant 0 : index
    %get3A_64 = vector.load %arg5[%get3A_62, %get3A_63] : memref<256x80xf32, #tpu.memory_space<vmem>>, vector<256x80xf32>
    %get3A_65 = arith.constant 0 : index
    %get3A_66 = arith.constant 0 : index
    %get3A_67 = vector.load %arg6[%get3A_65, %get3A_66] : memref<256x80xf32, #tpu.memory_space<vmem>>, vector<256x80xf32>
    %slice3A_68 = vector.extract_strided_slice %get3A_64 {offsets = [0, 0], sizes = [16, 80], strides = [1, 1]} : vector<256x80xf32> to vector<16x80xf32>
    %slice3A_69 = vector.extract_strided_slice %get3A_67 {offsets = [0, 0], sizes = [16, 80], strides = [1, 1]} : vector<256x80xf32> to vector<16x80xf32>
    %slice3A_70 = vector.extract_strided_slice %get3A_64 {offsets = [16, 0], sizes = [16, 80], strides = [1, 1]} : vector<256x80xf32> to vector<16x80xf32>
    %add3A_71 = arith.addf %slice3A_68, %slice3A_70 : vector<16x80xf32>
    %slice3A_72 = vector.extract_strided_slice %get3A_67 {offsets = [16, 0], sizes = [16, 80], strides = [1, 1]} : vector<256x80xf32> to vector<16x80xf32>
    %add3A_73 = arith.addf %slice3A_69, %slice3A_72 : vector<16x80xf32>
    %slice3A_74 = vector.extract_strided_slice %get3A_64 {offsets = [32, 0], sizes = [16, 80], strides = [1, 1]} : vector<256x80xf32> to vector<16x80xf32>
    %add3A_75 = arith.addf %add3A_71, %slice3A_74 : vector<16x80xf32>
    %slice3A_76 = vector.extract_strided_slice %get3A_67 {offsets = [32, 0], sizes = [16, 80], strides = [1, 1]} : vector<256x80xf32> to vector<16x80xf32>
    %add3A_77 = arith.addf %add3A_73, %slice3A_76 : vector<16x80xf32>
    %slice3A_78 = vector.extract_strided_slice %get3A_64 {offsets = [48, 0], sizes = [16, 80], strides = [1, 1]} : vector<256x80xf32> to vector<16x80xf32>
    %add3A_79 = arith.addf %add3A_75, %slice3A_78 : vector<16x80xf32>
    %slice3A_80 = vector.extract_strided_slice %get3A_67 {offsets = [48, 0], sizes = [16, 80], strides = [1, 1]} : vector<256x80xf32> to vector<16x80xf32>
    %add3A_81 = arith.addf %add3A_77, %slice3A_80 : vector<16x80xf32>
    %slice3A_82 = vector.extract_strided_slice %get3A_64 {offsets = [64, 0], sizes = [16, 80], strides = [1, 1]} : vector<256x80xf32> to vector<16x80xf32>
    %add3A_83 = arith.addf %add3A_79, %slice3A_82 : vector<16x80xf32>
    %slice3A_84 = vector.extract_strided_slice %get3A_67 {offsets = [64, 0], sizes = [16, 80], strides = [1, 1]} : vector<256x80xf32> to vector<16x80xf32>
    %add3A_85 = arith.addf %add3A_81, %slice3A_84 : vector<16x80xf32>
    %slice3A_86 = vector.extract_strided_slice %get3A_64 {offsets = [80, 0], sizes = [16, 80], strides = [1, 1]} : vector<256x80xf32> to vector<16x80xf32>
    %add3A_87 = arith.addf %add3A_83, %slice3A_86 : vector<16x80xf32>
    %slice3A_88 = vector.extract_strided_slice %get3A_67 {offsets = [80, 0], sizes = [16, 80], strides = [1, 1]} : vector<256x80xf32> to vector<16x80xf32>
    %add3A_89 = arith.addf %add3A_85, %slice3A_88 : vector<16x80xf32>
    %slice3A_90 = vector.extract_strided_slice %get3A_64 {offsets = [96, 0], sizes = [16, 80], strides = [1, 1]} : vector<256x80xf32> to vector<16x80xf32>
    %add3A_91 = arith.addf %add3A_87, %slice3A_90 : vector<16x80xf32>
    %slice3A_92 = vector.extract_strided_slice %get3A_67 {offsets = [96, 0], sizes = [16, 80], strides = [1, 1]} : vector<256x80xf32> to vector<16x80xf32>
    %add3A_93 = arith.addf %add3A_89, %slice3A_92 : vector<16x80xf32>
    %slice3A_94 = vector.extract_strided_slice %get3A_64 {offsets = [112, 0], sizes = [16, 80], strides = [1, 1]} : vector<256x80xf32> to vector<16x80xf32>
    %add3A_95 = arith.addf %add3A_91, %slice3A_94 : vector<16x80xf32>
    %slice3A_96 = vector.extract_strided_slice %get3A_67 {offsets = [112, 0], sizes = [16, 80], strides = [1, 1]} : vector<256x80xf32> to vector<16x80xf32>
    %add3A_97 = arith.addf %add3A_93, %slice3A_96 : vector<16x80xf32>
    %slice3A_98 = vector.extract_strided_slice %get3A_64 {offsets = [128, 0], sizes = [16, 80], strides = [1, 1]} : vector<256x80xf32> to vector<16x80xf32>
    %add3A_99 = arith.addf %add3A_95, %slice3A_98 : vector<16x80xf32>
    %slice3A_100 = vector.extract_strided_slice %get3A_67 {offsets = [128, 0], sizes = [16, 80], strides = [1, 1]} : vector<256x80xf32> to vector<16x80xf32>
    %add3A_101 = arith.addf %add3A_97, %slice3A_100 : vector<16x80xf32>
    %slice3A_102 = vector.extract_strided_slice %get3A_64 {offsets = [144, 0], sizes = [16, 80], strides = [1, 1]} : vector<256x80xf32> to vector<16x80xf32>
    %add3A_103 = arith.addf %add3A_99, %slice3A_102 : vector<16x80xf32>
    %slice3A_104 = vector.extract_strided_slice %get3A_67 {offsets = [144, 0], sizes = [16, 80], strides = [1, 1]} : vector<256x80xf32> to vector<16x80xf32>
    %add3A_105 = arith.addf %add3A_101, %slice3A_104 : vector<16x80xf32>
    %slice3A_106 = vector.extract_strided_slice %get3A_64 {offsets = [160, 0], sizes = [16, 80], strides = [1, 1]} : vector<256x80xf32> to vector<16x80xf32>
    %add3A_107 = arith.addf %add3A_103, %slice3A_106 : vector<16x80xf32>
    %slice3A_108 = vector.extract_strided_slice %get3A_67 {offsets = [160, 0], sizes = [16, 80], strides = [1, 1]} : vector<256x80xf32> to vector<16x80xf32>
    %add3A_109 = arith.addf %add3A_105, %slice3A_108 : vector<16x80xf32>
    %slice3A_110 = vector.extract_strided_slice %get3A_64 {offsets = [176, 0], sizes = [16, 80], strides = [1, 1]} : vector<256x80xf32> to vector<16x80xf32>
    %add3A_111 = arith.addf %add3A_107, %slice3A_110 : vector<16x80xf32>
    %slice3A_112 = vector.extract_strided_slice %get3A_67 {offsets = [176, 0], sizes = [16, 80], strides = [1, 1]} : vector<256x80xf32> to vector<16x80xf32>
    %add3A_113 = arith.addf %add3A_109, %slice3A_112 : vector<16x80xf32>
    %slice3A_114 = vector.extract_strided_slice %get3A_64 {offsets = [192, 0], sizes = [16, 80], strides = [1, 1]} : vector<256x80xf32> to vector<16x80xf32>
    %add3A_115 = arith.addf %add3A_111, %slice3A_114 : vector<16x80xf32>
    %slice3A_116 = vector.extract_strided_slice %get3A_67 {offsets = [192, 0], sizes = [16, 80], strides = [1, 1]} : vector<256x80xf32> to vector<16x80xf32>
    %add3A_117 = arith.addf %add3A_113, %slice3A_116 : vector<16x80xf32>
    %slice3A_118 = vector.extract_strided_slice %get3A_64 {offsets = [208, 0], sizes = [16, 80], strides = [1, 1]} : vector<256x80xf32> to vector<16x80xf32>
    %add3A_119 = arith.addf %add3A_115, %slice3A_118 : vector<16x80xf32>
    %slice3A_120 = vector.extract_strided_slice %get3A_67 {offsets = [208, 0], sizes = [16, 80], strides = [1, 1]} : vector<256x80xf32> to vector<16x80xf32>
    %add3A_121 = arith.addf %add3A_117, %slice3A_120 : vector<16x80xf32>
    %slice3A_122 = vector.extract_strided_slice %get3A_64 {offsets = [224, 0], sizes = [16, 80], strides = [1, 1]} : vector<256x80xf32> to vector<16x80xf32>
    %add3A_123 = arith.addf %add3A_119, %slice3A_122 : vector<16x80xf32>
    %slice3A_124 = vector.extract_strided_slice %get3A_67 {offsets = [224, 0], sizes = [16, 80], strides = [1, 1]} : vector<256x80xf32> to vector<16x80xf32>
    %add3A_125 = arith.addf %add3A_121, %slice3A_124 : vector<16x80xf32>
    %slice3A_126 = vector.extract_strided_slice %get3A_64 {offsets = [240, 0], sizes = [16, 80], strides = [1, 1]} : vector<256x80xf32> to vector<16x80xf32>
    %add3A_127 = arith.addf %add3A_123, %slice3A_126 : vector<16x80xf32>
    %slice3A_128 = vector.extract_strided_slice %get3A_67 {offsets = [240, 0], sizes = [16, 80], strides = [1, 1]} : vector<256x80xf32> to vector<16x80xf32>
    %add3A_129 = arith.addf %add3A_125, %slice3A_128 : vector<16x80xf32>
    %slice3A_130 = vector.extract_strided_slice %add3A_127 {offsets = [0, 64], sizes = [16, 1], strides = [1, 1]} : vector<16x80xf32> to vector<16x1xf32>
    %max3A_131 = arith.constant 1.000000e+00 : f32
    %max3A_132 = vector.broadcast %max3A_131 : f32 to vector<16x1xf32>
    %max3A_133 = arith.maximumf %slice3A_130, %max3A_132 : vector<16x1xf32>
    %slice3A_134 = vector.extract_strided_slice %add3A_127 {offsets = [0, 0], sizes = [16, 64], strides = [1, 1]} : vector<16x80xf32> to vector<16x64xf32>
    %div3A_135 = vector.broadcast %max3A_133 : vector<16x1xf32> to vector<16x64xf32>
    %div3A_136 = arith.divf %slice3A_134, %div3A_135 : vector<16x64xf32>
    %slice3A_137 = vector.extract_strided_slice %add3A_129 {offsets = [0, 0], sizes = [16, 64], strides = [1, 1]} : vector<16x80xf32> to vector<16x64xf32>
    %div3A_138 = vector.broadcast %max3A_133 : vector<16x1xf32> to vector<16x64xf32>
    %div3A_139 = arith.divf %slice3A_137, %div3A_138 : vector<16x64xf32>
    %get3A_140 = arith.constant 0 : index
    %get3A_141 = arith.constant 0 : index
    %get3A_142 = vector.load %arg9[%get3A_140, %get3A_141] : memref<320x64xf32, #tpu.memory_space<vmem>>, vector<320x64xf32>
    %slice3A_143 = vector.extract_strided_slice %get3A_142 {offsets = [0, 0], sizes = [64, 64], strides = [1, 1]} : vector<320x64xf32> to vector<64x64xf32>
    %dot_general3A_144 = arith.constant dense<0.000000e+00> : vector<16x64xf32>
    %dot_general3A_145 = tpu.matmul %div3A_136, %slice3A_143, %dot_general3A_144 {dimension_numbers = #tpu.dot_dimension_numbers<[1], [0], [0], [1], [0, 0, 1, 1], [], []>, transpose_lhs_hint = false} : vector<16x64xf32>, vector<64x64xf32>, vector<16x64xf32> -> vector<16x64xf32>
    %slice3A_146 = vector.extract_strided_slice %get3A_142 {offsets = [64, 0], sizes = [64, 64], strides = [1, 1]} : vector<320x64xf32> to vector<64x64xf32>
    %dot_general3A_147 = arith.constant dense<0.000000e+00> : vector<16x64xf32>
    %dot_general3A_148 = tpu.matmul %div3A_139, %slice3A_146, %dot_general3A_147 {dimension_numbers = #tpu.dot_dimension_numbers<[1], [0], [0], [1], [0, 0, 1, 1], [], []>, transpose_lhs_hint = false} : vector<16x64xf32>, vector<64x64xf32>, vector<16x64xf32> -> vector<16x64xf32>
    %add3A_149 = arith.addf %dot_general3A_145, %dot_general3A_148 : vector<16x64xf32>
    %slice3A_150 = vector.extract_strided_slice %get3A_142 {offsets = [128, 0], sizes = [128, 64], strides = [1, 1]} : vector<320x64xf32> to vector<128x64xf32>
    %dot_general3A_151 = arith.constant dense<0.000000e+00> : vector<16x64xf32>
    %dot_general3A_152 = tpu.matmul %div3A_61, %slice3A_150, %dot_general3A_151 {dimension_numbers = #tpu.dot_dimension_numbers<[1], [0], [0], [1], [0, 0, 1, 1], [], []>, transpose_lhs_hint = false} : vector<16x128xf32>, vector<128x64xf32>, vector<16x64xf32> -> vector<16x64xf32>
    %add3A_153 = arith.addf %add3A_149, %dot_general3A_152 : vector<16x64xf32>
    %slice3A_154 = vector.extract_strided_slice %get3A_142 {offsets = [256, 0], sizes = [64, 64], strides = [1, 1]} : vector<320x64xf32> to vector<64x64xf32>
    %dot_general3A_155 = arith.constant dense<0.000000e+00> : vector<16x64xf32>
    %dot_general3A_156 = tpu.matmul %get3A_17, %slice3A_154, %dot_general3A_155 {dimension_numbers = #tpu.dot_dimension_numbers<[1], [0], [0], [1], [0, 0, 1, 1], [], []>, transpose_lhs_hint = false} : vector<16x64xf32>, vector<64x64xf32>, vector<16x64xf32> -> vector<16x64xf32>
    %add3A_157 = arith.addf %add3A_153, %dot_general3A_156 : vector<16x64xf32>
    %get3A_158 = arith.constant 0 : index
    %get3A_159 = vector.load %arg10[%get3A_158] : memref<64xf32, #tpu.memory_space<vmem>>, vector<64xf32>
    %broadcast_in_dim3A_160 = vector.shape_cast %get3A_159 : vector<64xf32> to vector<1x64xf32>
    %add3A_161 = vector.broadcast %broadcast_in_dim3A_160 : vector<1x64xf32> to vector<16x64xf32>
    %add3A_162 = arith.addf %add3A_157, %add3A_161 : vector<16x64xf32>
    %max3A_163 = arith.constant 0.000000e+00 : f32
    %max3A_164 = vector.broadcast %max3A_163 : f32 to vector<16x64xf32>
    %max3A_165 = arith.maximumf %add3A_162, %max3A_164 : vector<16x64xf32>
    %swap3A_166 = arith.constant 0 : index
    %swap3A_167 = arith.constant 0 : index
    %swap3A_168 = vector.load %arg12[%swap3A_166, %swap3A_167] : memref<16x64xf32, #tpu.memory_space<vmem>>, vector<16x64xf32>
    tpu.vector_store %arg12[%swap3A_166, %swap3A_167], %max3A_165 {strides = array<i32>} : memref<16x64xf32, #tpu.memory_space<vmem>>, vector<16x64xf32>,
    return
  }
}

</mosaic_0001>

<sc_bundles>
// kernel: kernel.6.cloned.1.call-start
scs
__scs_entry_jumppad:
0x0: {  	(pc) =	sbr.rel $0x88, $3  }
0x1: {  	(tag) =	ssettag $0x0;
	lr =	simm.s32 $0x1  }
0x2: {  	[smem:$0x3F96] =	sst lr;
	_ =	strace $0xD0000000  }
0x3: {  	_ = 	snop  }
0x4: {  	_ = 	snop  }
0x5: {  	_ = 	snop  }
0x6: {  	_ = 	snop  }
0x7: {  	_ = 	snop  }
__scs_overlays_trampoline_lowered:
0x8: {  	[smem:$0x3FA5] =	sst s0  }
0x9: {  	[smem:$0x3FA6] =	sst s1  }
0xa: {  	[smem:$0x3FA7] =	sst s2  }
0xb: {  	[smem:$0x3FA8] =	sst s3  }
0xc: {  	[smem:$0x3FA9] =	sst s4  }
0xd: {  	[smem:$0x3FAA] =	sst s5  }
0xe: {  	[smem:$0x3FAB] =	sst s6  }
0xf: {  	[smem:$0x3FAC] =	sst s7  }
0x10: {  	[smem:$0x3FAD] =	sst s8  }
0x11: {  	[smem:$0x3FAE] =	sst s9;
	s0 =	simm.s32 @!p0 $0x0  }
0x12: {  	s1 =	sld [smem:$0x3F94];
	s0 =	simm.s32 @p0 $0x1  }
0x13: {  	[smem:$0x3FAF] =	sst s0;
	s0 =	simm.s32 @!p1 $0x0  }
0x14: {  	s2 =	sld [smem:$0x3F93];
	s0 =	simm.s32 @p1 $0x1  }
0x15: {  	[smem:$0x3FB0] =	sst s0;
	s0 =	simm.s32 @!p2 $0x0  }
0x16: {  	s3 =	sld [smem:$0x3FDB];
	s0 =	simm.s32 @p2 $0x1  }
0x17: {  	s4 =	simm.s32 $0x1BF5;
	[smem:$0x3FB2] =	sst s0  }
0x18: {  	s0 =	sld [smem:$0x3F95];
	_ =	swait.ge [sflag:s4], $0x0  }
0x19: {  	s7 =	sld [smem:$0x3F96]  }
0x1a: {  	s8 =	sadd.s32 $0xFFFFE003, lr  }
0x1b: {  	s9 =	sadd.s32 $0xFFFFFEF7, lr;
	s5 =	simm.s32 $0xFFFFFFFF;
	p2 =	slt.u32 s8, $0xFFFFF086  }
0x1c: {  	p1 =	slt.u32 s9, $0xF7A;
	s5 =	simm.s32 @!p2 $0x0  }
0x1d: {  	s5 =	simm.s32 @p1 $0x1;
	p0 =	seq.s32 s7, s2  }
0x1e: {  	s7 =	smul.u32 @!p0 $0xF7A, s2;
	p2 =	seq.s32 @!p0 s5, $0x0  }
0x1f: {  	s9 =	smul.u32 $0xF7A, s1;
	s8 =	simm.s32 @!p0 $0x1BF5;
	p2 =	por !p2, p0  }
0x20: {  	[sflag:s8] =	ssyncset.s32 @!p0 $0xFFFFF086;
	s6 =	sadd.s32 @!p0 s3, s7;
	s7 =	simm.s32 @!p0 $0x108  }
0x21: {  	s3 =	sadd.s32 s3, s9;
	s6 =	sadd.s32 @!p0 $0x88, s6;
	s7 =	simm.s32 @p2 $0x1082  }
0x22: {  	[simem:s7], [sflag:s8] =	dma.local @!p0 [hbm:s6], $0xF7A  }
0x23: {  	s9 =	sor.u32 $0xD0000000, s2;
	s6 =	simm.s32 $0x108;
	_ =	swait.ge @!p0 [sflag:s8], $0x0  }
0x24: {  	s3 =	sadd.s32 $0x88, s3;
	s6 =	simm.s32 @!p1 $0x1082;
	[sflag:s4] =	ssyncset.s32 $0xFFFFF086  }
0x25: {  	[simem:s6], [sflag:s4] =	dma.local [hbm:s3], $0xF7A  }
0x26: {  	[smem:$0x3F96] =	sst s1;
	(tag) =	ssettag s2;
	_ =	strace s9  }
0x27: {  	s1 =	sld [smem:$0x3FA6]  }
0x28: {  	s2 =	sld [smem:$0x3FA7]  }
0x29: {  	s4 =	sld [smem:$0x3FA9]  }
0x2a: {  	p0 =	seq.s32 s5, $0x0;
	s5 =	sld [smem:$0x3FAA]  }
0x2b: {  	s6 =	sld [smem:$0x3FAB]  }
0x2c: {  	s7 =	sld [smem:$0x3FAC]  }
0x2d: {  	s3 =	simm.s32 $0x108;
	s8 =	sld [smem:$0x3FAD]  }
0x2e: {  	s3 =	simm.s32 @!p0 $0x1082;
	s9 =	sld [smem:$0x3FAE]  }
0x2f: {  	lr =	sadd.s32 s0, s3;
	s0 =	sld [smem:$0x3FA5]  }
0x30: {  	s3 =	sld [smem:$0x3FA8]  }
0x31: {  	[smem:$0x3FB1] =	sst s10  }
0x32: {  	s10 =	sld [smem:$0x3FAF];
	_ =	sdelay $0x3  }
0x33: {  	p0 =	seq.s32 s10, $0x1;
	s10 =	sld [smem:$0x3FB1];
	_ =	sdelay $0x3  }
0x34: {  	[smem:$0x3FB1] =	sst s10  }
0x35: {  	s10 =	sld [smem:$0x3FB0];
	_ =	sdelay $0x3  }
0x36: {  	p1 =	seq.s32 s10, $0x1;
	s10 =	sld [smem:$0x3FB1];
	_ =	sdelay $0x3  }
0x37: {  	[smem:$0x3FB1] =	sst s10  }
0x38: {  	s10 =	sld [smem:$0x3FB2]  }
0x39: {  	_ = 	snop;
	(pc) =	sbr.ind lr, $3  }
0x3a: {  	_ = 	snop  }
0x3b: {  	_ = 	snop  }
0x3c: {  	p2 =	seq.s32 s10, $0x1;
	s10 =	sld [smem:$0x3FB1]  }
0x3d: {  	_ =	shalt  }
0x3e: {  	_ =	shalt  }
0x3f: {  	_ =	shalt  }
0x40: {  	_ =	shalt  }
0x41: {  	_ =	shalt  }
0x42: {  	_ =	shalt  }
0x43: {  	_ =	shalt  }
0x44: {  	_ =	shalt  }
0x45: {  	_ =	shalt  }
0x46: {  	_ =	shalt  }
0x47: {  	_ =	shalt  }
0x48: {  	_ =	shalt  }
0x49: {  	_ =	shalt  }
0x4a: {  	_ =	shalt  }
0x4b: {  	_ =	shalt  }
0x4c: {  	_ =	shalt  }
0x4d: {  	_ =	shalt  }
0x4e: {  	_ =	shalt  }
0x4f: {  	_ =	shalt  }
0x50: {  	_ =	shalt  }
0x51: {  	_ =	shalt  }
0x52: {  	_ =	shalt  }
0x53: {  	_ =	shalt  }
0x54: {  	_ =	shalt  }
0x55: {  	_ =	shalt  }
0x56: {  	_ =	shalt  }
0x57: {  	_ =	shalt  }
0x58: {  	_ =	shalt  }
0x59: {  	_ =	shalt  }
0x5a: {  	_ =	shalt  }
0x5b: {  	_ =	shalt  }
0x5c: {  	_ =	shalt  }
0x5d: {  	_ =	shalt  }
0x5e: {  	_ =	shalt  }
0x5f: {  	_ =	shalt  }
0x60: {  	_ =	shalt  }
0x61: {  	_ =	shalt  }
0x62: {  	_ =	shalt  }
0x63: {  	_ =	shalt  }
0x64: {  	_ =	shalt  }
0x65: {  	_ =	shalt  }
0x66: {  	_ =	shalt  }
0x67: {  	_ =	shalt  }
0x68: {  	_ =	shalt  }
0x69: {  	_ =	shalt  }
0x6a: {  	_ =	shalt  }
0x6b: {  	_ =	shalt  }
0x6c: {  	_ =	shalt  }
0x6d: {  	_ =	shalt  }
0x6e: {  	_ =	shalt  }
0x6f: {  	_ =	shalt  }
0x70: {  	_ =	shalt  }
0x71: {  	_ =	shalt  }
0x72: {  	_ =	shalt  }
0x73: {  	_ =	shalt  }
0x74: {  	_ =	shalt  }
0x75: {  	_ =	shalt  }
0x76: {  	_ =	shalt  }
0x77: {  	_ =	shalt  }
0x78: {  	_ =	shalt  }
0x79: {  	_ =	shalt  }
0x7a: {  	_ =	shalt  }
0x7b: {  	_ =	shalt  }
0x7c: {  	_ =	shalt  }
0x7d: {  	_ =	shalt  }
0x7e: {  	_ =	shalt  }
0x7f: {  	_ =	shalt  }
0x80: {  	_ =	shalt  }
0x81: {  	_ =	shalt  }
0x82: {  	_ =	shalt  }
0x83: {  	_ =	shalt  }
0x84: {  	_ =	shalt  }
0x85: {  	_ =	shalt  }
0x86: {  	_ =	shalt  }
0x87: {  	_ =	shalt  }
.Lfunc_end0:
.L_simem_size_0:
called_computation_lowered:
.L_overlay_start_0:
0x88: {  	s2 =	sld [smem:$0x3FD9]  }
0x89: {  	s3 =	sld [smem:$0x3FFE];
	_ =	sdelay $0x1  }
0x8a: {  	s1 =	srdreg.scid  }
0x8b: {  	s0 =	sand.u32 $0x1, s1  }
0x8c: {  	s14 =	sshll.u32 s0, $0xA;
	s2 =	sadd.s32 s3, s2  }
0x8d: {  	s2 =	sadd.s32 s2, s14  }
0x8e: {  	[smem:$0x3FBD] =	sst s2  }
0x8f: {  	_ = 	snop  }
0x90: {  	s2 =	sld [smem:$0x3FD0];
	_ =	sdelay $0x2  }
0x91: {  	s4 =	simm.s32 $0xA;
	s5 =	simm.s32 $0x10;
	s15 =	sld [smem:$0x3FC5]  }
0x92: {  	[smem:s5], [sflag:s4] =	dma.local [hbm:s2], $0x1  }
0x93: {  	_ =	swait.eq [sflag:s4], $0x1  }
0x94: {  	[sflag:s4] =	ssyncset.done $0x0  }
0x95: {  	s16 =	sld [smem:$0x11];
	[sflag:s4] =	ssyncadd.s32 $0xFFFFFFFF  }
0x96: {  	s17 =	sld [smem:$0x12];
	(tm) =	ssettm $0x1  }
0x97: {  	s18 =	sld [smem:$0x3FFB];
	_ =	sdelay $0x3  }
0x98: {  	_ =	strace s18  }
0x99: {  	s5 =	sld [smem:$0x3FFC];
	_ =	sdelay $0x3  }
0x9a: {  	_ =	strace s5  }
0x9b: {  	s5 =	sld [smem:$0x3FFD];
	_ =	sdelay $0x3  }
0x9c: {  	_ =	strace s5  }
0x9d: {  	_ =	strace $0x8FFFFFFF  }
0x9e: {  	s19 =	sld [smem:$0x3FDB];
	_ =	sdelay $0x1  }
0x9f: {  	s6 =	simm.s32 $_scs_section_size  }
0xa0: {  	s7 =	simm.s32 $_size__tile_overlayer_lowered;
	s8 =	simm.s32 $_tile_overlayer_lowered  }
0xa1: {  	s22 =	simm.s32 $0x1BFF;
	s21 =	sshll.u32 s8, $0x1;
	s5 =	sadd.s32 s6, s19  }
0xa2: {  	s9 =	simm.s32 $0x0;
	s20 =	sshll.u32 s7, $0x1;
	s7 =	sadd.s32 s21, s5  }
0xa3: {  	[timem:s9], [sflag:s22] =	dma.local [hbm:s7], s20  }
0xa4: {  	_ =	swait.ge [sflag:s22], s20  }
0xa5: {  	s6 =	ssub.s32 $0x0, s20;
	[sflag:s22] =	ssyncset.done $0x0  }
0xa6: {  	[sflag:s22] =	ssyncadd.s32 s6;
	_ =	sdelay $0x1  }
0xa7: {  	s23 =	simm.s32 $0x1B8B  }
0xa8: {  	_ =	swait.ge [sflag:s23], $0x1  }
0xa9: {  	[sflag:s23] =	ssyncset.done $0x0  }
0xaa: {  	s25 =	simm.s32 $0x1B8E;
	s24 =	sld [smem:$0x3FFE];
	[sflag:s23] =	ssyncadd.s32 $0xFFFFFFFF  }
0xab: {  	s26 =	simm.s32 $execute0_lowered;
	[smem:$0x3FD2] =	sst s25  }
0xac: {  	s7 =	sshll.u32 s26, $0x1;
	_ =	strace $0x80000046;
	[dreg:$0x1] =	wrdreg $0xFFFFFFFF  }
0xad: {  	s28 =	simm.s32 $_size_execute0_lowered;
	s5 =	sadd.s32 s5, s7;
	[dreg:$0x0] =	wrdreg $0x0  }
0xae: {  	s7 =	sshll.u32 s28, $0x1;
	[dreg:$0x2] =	wrdreg s5  }
0xaf: {  	[dreg:$0x3] =	wrdreg s7  }
0xb0: {  	[dreg:$0x4] =	wrdreg $0xC0  }
0xb1: {  	_ =	task [dreg:s9], $0x5FFFF  }
0xb2: {  	[dreg:$0x1] =	wrdreg $0xFFFFFFFF  }
0xb3: {  	[dreg:$0x0] =	wrdreg $0x60  }
0xb4: {  	[dreg:$0x2] =	wrdreg s24  }
0xb5: {  	[dreg:$0x3] =	wrdreg s17  }
0xb6: {  	[dreg:$0x4] =	wrdreg s15  }
0xb7: {  	[dreg:$0x5] =	wrdreg s16  }
0xb8: {  	[dreg:$0x6] =	wrdreg $0xE3300  }
0xb9: {  	[dreg:$0x7] =	wrdreg $0x1A8B00  }
0xba: {  	[dreg:$0x8] =	wrdreg $0x9  }
0xbb: {  	_ =	task.clear_ibuf [dreg:s9], $0x9FFFF;
	_ =	strace $0x90000046  }
0xbc: {  	s29 =	simm.s32 $0x9;
	_ =	strace $0x80000048  }
0xbd: {  	_ =	swait.ge [sflag:s29], $0x1  }
0xbe: {  	[sflag:s29] =	ssyncadd.s32 $0xFFFFFFFF  }
0xbf: {  	_ =	strace $0x90000048  }
0xc0: {  	_ =	sfence  }
0xc1: {  	s30 =	sld [smem:$0x0];
	_ =	sdelay $0x2  }
0xc2: {  	s31 =	sshll.u32 s1, $0xD;
	s1 =	sshrl.u32 s1, $0x2  }
0xc3: {  	s3 =	sand.u32 $0x4000, s31;
	s1 =	sadd.s32 s1, s30  }
0xc4: {  	s0 =	sor.u32 s3, s0;
	s1 =	sshll.u32 s1, $0x11  }
0xc5: {  	s0 =	sor.u32 s1, s0  }
0xc6: {  	s0 =	sadd.s32 $0x8F2B, s0  }
0xc7: {  	[sflag:s0] =	ssyncadd.remote.s32 $0x1  }
0xc8: {  	_ =	sfence.sel $0xFFFF  }
0xc9: {  	[dreg:$0x0] =	wrdreg $0xFFFFFFFF;
	(pc) =	sbr.abs _section_cstart, $3  }
0xca: {  	[dreg:$0x1] =	wrdreg $0xFFFFFFFF  }
0xcb: {  	_ =	task.clear_ibuf [dreg:s9], $0x2FFFF;
	_ =	strace $0x9FFFFFFF  }
0xcc: {  	(tm) =	ssettm $0x7FFFFFFF  }
0xcd: {  	_ =	shalt  }
tec
execute0_lowered:
.L_overlay_start_1:
0x0: {  	(tag) =	ssettag $0x1  }
0x1: {  	s0 =	rddreg [dreg:$0x0]  }
0x2: {  	s3 =	rddreg [dreg:$0x3]  }
0x3: {  	s4 =	rddreg [dreg:$0x4];
	s14 =	stileid.u32  }
0x4: {  	s1 =	srdreg.scid;
	s9 =	smul.u32 $0xC580, s14  }
0x5: {  	s5 =	rddreg [dreg:$0x5];
	s10 =	smul.u32 $0x500, s14  }
0x6: {  	s7 =	simm.s32 $0x0;
	s31 =	simm.s32 $0x50;
	s12 =	smul.u32 $0x31600, s14  }
0x7: {  	s17 =	simm.s32 $0x1;
	s1 =	sand.u32 $0x1, s1;
	s18 =	smul.u32 $0x4E20, s14  }
0x8: {  	[smem:$0x7FF] =	sst s7;
	s8 =	sadd.s32 $0x34200, s0;
	s2 =	smul.u32 $0x13880, s1  }
0x9: {  	s13 =	sadd.s32 $0x2A400, s0;
	s16 =	sshll.u32 s14, $0x4;
	s6 =	smul.u32 $0xC5800, s1  }
0xa: {  	_ =	strace $0x80000047;
	s11 =	smul.u32 $0x5000, s1;
	[dreg:$0x7] =	wrdreg s13  }
0xb: {  	s29 =	ssub.s32 $0x2, s1;
	v1 =	vmov s16;
	s16 =	simm.s32 $0x8;
	s13 =	simm.s32 $0x0  }
0xc: {  	s12 =	sshrl.u32 s12, $0x2;
	s30 =	sshrl.u32 s29, $0x1;
	s20 =	sadd.s32 s10, s5  }
0xd: {  	[dreg:$0xb] =	wrdreg s18;
	s21 =	sadd.s32 s9, s4;
	s18 =	simm.s32 $0x3  }
0xe: {  	s2 =	sadd.s32 s2, s0;
	s6 =	sadd.s32 s9, s6;
	s11 =	sadd.s32 s10, s11  }
0xf: {  	s12 =	sadd.s32 s12, s4;
	s10 =	simm.s32 $0x4;
	s9 =	simm.s32 $0xA  }
0x10: {  	[dreg:$0xa] =	wrdreg s20;
	s6 =	sshrl.u32 s6, $0x3;
	s11 =	sshrl.u32 s11, $0x3  }
0x11: {  	s15 =	sadd.s32 $0xAF00, s12;
	s14 =	sadd.s32 $0x3200, s2;
	[dreg:$0x8] =	wrdreg s12  }
0x12: {  	s23 =	sadd.s32 $0x1900, s12;
	s24 =	sadd.s32 $0x3200, s12;
	[dreg:$0x9] =	wrdreg s15  }
0x13: {  	s25 =	sadd.s32 $0x4B00, s12;
	s26 =	sadd.s32 $0x6400, s12;
	[dreg:$0xf] =	wrdreg s23  }
0x14: {  	s28 =	sadd.s32 $0x7D00, s12;
	s2 =	simm.s32 $0x6;
	[dreg:$0x10] =	wrdreg s24  }
0x15: {  	s6 =	sadd.s32 s6, s0;
	s0 =	sadd.s32 s11, s0;
	[dreg:$0x11] =	wrdreg s25  }
0x16: {  	s11 =	ssub.s32 s29, s30;
	s15 =	sshll.u32 s1, $0x6;
	[dreg:$0x12] =	wrdreg s26  }
0x17: {  	[dreg:$0x13] =	wrdreg s28;
	s29 =	sshrl.u32 s21, $0x3;
	s30 =	sadd.s32 $0x9600, s12  }
0x18: {  	s23 =	simm.s32 $0x9830;
	s25 =	simm.s32 $0x2;
	[dreg:$0x14] =	wrdreg s29  }
0x19: {  	s12 =	simm.s32 $0x4740;
	s19 =	sadd.s32 $0x516200, s6;
	[dreg:$0x15] =	wrdreg s30  }
0x1a: {  	s26 =	simm.s32 $0xB130;
	s0 =	sadd.s32 $0x547800, s0;
	[dreg:$0xc] =	wrdreg s19  }
0x1b: {  	v0 =	vimm.f32 $0.0e+00;
	vm0 =	vcmask $0x300;
	s22 =	smax.u32 s11, $0x1;
	s6 =	simm.s32 $0x40;
	[dreg:$0xd] =	wrdreg s0  }
0x1c: {  	v2 =	vsel vm0, $0x3F800000, v0;
	s11 =	simm.s32 $0x80;
	[dreg:$0xe] =	wrdreg s22;
	s0 =	simm.s32 $0x47E0  }
.LBB2_1:
0x1d: {  	[dreg:$0x16] =	wrdreg s13;
	s13 =	simm.s32 $0x140;
	s1 =	simm.s32 $0x0  }
.LBB2_2:
0x1e: {  	p0 =	sne.s32 s13, $0x62C0;
	[tilespmem:s1+$0xCA70] =	vst v0;
	s19 =	smov.u32 s13;
	s13 =	sadd.s32 $0x140, s13  }
.Ltmp0:
0x1f: {  	[tilespmem:s1+$0xCA60] =	vst v0;
	(pc) =	sbr.rel @p0 .LBB2_2-.Ltmp0, $4  }
0x20: {  	[tilespmem:s1+$0xCA50] =	vst v0  }
0x21: {  	[tilespmem:s1+$0xCA30] =	vst v0  }
0x22: {  	[tilespmem:s1+$0xCA40] =	vst v0  }
0x23: {  	s1 =	sshra.s32 s19, $0x2  }
0x24: {  	[tilespmem:s1+$0xCA70] =	vst v0  }
0x25: {  	[tilespmem:s1+$0xCA60] =	vst v0  }
0x26: {  	[tilespmem:s1+$0xCA50] =	vst v0  }
0x27: {  	[tilespmem:s1+$0xCA30] =	vst v0  }
0x28: {  	[tilespmem:s1+$0xCA40] =	vst v0;
	s28 =	rddreg [dreg:$0x8];
	s13 =	simm.s32 $0xCA30;
	s19 =	simm.s32 $0xB  }
0x29: {  	[spmem:s28] =	stream.linear.scatter [tilespmem:s13], [sflag:$0xB], $0x1900, $0x38;
	[tilespmem:$0x1ADB0] =	vst v63  }
0x2a: {  	_ =	swait.ge [sflag:s19], $0x1900  }
0x2b: {  	[sflag:s19] =	ssyncset.done $0x0  }
0x2c: {  	s29 =	rddreg [dreg:$0xf];
	[sflag:s19] =	ssyncadd.s32 $0xFFFFE700  }
0x2d: {  	[spmem:s29] =	stream.linear.scatter [tilespmem:s13], [sflag:$0xB], $0x1900, $0x38;
	[tilespmem:$0x1ADB0] =	vst v63  }
0x2e: {  	_ =	swait.ge [sflag:s19], $0x1900  }
0x2f: {  	[sflag:s19] =	ssyncset.done $0x0  }
0x30: {  	s30 =	rddreg [dreg:$0x10];
	[sflag:s19] =	ssyncadd.s32 $0xFFFFE700  }
0x31: {  	[spmem:s30] =	stream.linear.scatter [tilespmem:s13], [sflag:$0xB], $0x1900, $0x38;
	[tilespmem:$0x1ADB0] =	vst v63  }
0x32: {  	_ =	swait.ge [sflag:s19], $0x1900  }
0x33: {  	[sflag:s19] =	ssyncset.done $0x0  }
0x34: {  	s21 =	rddreg [dreg:$0x11];
	[sflag:s19] =	ssyncadd.s32 $0xFFFFE700  }
0x35: {  	[spmem:s21] =	stream.linear.scatter [tilespmem:s13], [sflag:$0xB], $0x1900, $0x38;
	[tilespmem:$0x1ADB0] =	vst v63  }
0x36: {  	_ =	swait.ge [sflag:s19], $0x1900  }
0x37: {  	[sflag:s19] =	ssyncset.done $0x0  }
0x38: {  	s22 =	rddreg [dreg:$0x12];
	[sflag:s19] =	ssyncadd.s32 $0xFFFFE700  }
0x39: {  	[spmem:s22] =	stream.linear.scatter [tilespmem:s13], [sflag:$0xB], $0x1900, $0x38;
	[tilespmem:$0x1ADB0] =	vst v63  }
0x3a: {  	_ =	swait.ge [sflag:s19], $0x1900  }
0x3b: {  	[sflag:s19] =	ssyncset.done $0x0  }
0x3c: {  	s24 =	rddreg [dreg:$0x13];
	[sflag:s19] =	ssyncadd.s32 $0xFFFFE700  }
0x3d: {  	[spmem:s24] =	stream.linear.scatter [tilespmem:s13], [sflag:$0xB], $0x1900, $0x38;
	[tilespmem:$0x1ADB0] =	vst v63  }
0x3e: {  	_ =	swait.ge [sflag:s19], $0x1900  }
0x3f: {  	[sflag:s19] =	ssyncset.done $0x0  }
0x40: {  	s28 =	rddreg [dreg:$0x15];
	[sflag:s19] =	ssyncadd.s32 $0xFFFFE700  }
0x41: {  	[spmem:s28] =	stream.linear.scatter [tilespmem:s13], [sflag:$0xB], $0x1900, $0x38;
	[tilespmem:$0x1ADB0] =	vst v63  }
0x42: {  	_ =	swait.ge [sflag:s19], $0x1900  }
0x43: {  	[sflag:s19] =	ssyncset.done $0x0  }
0x44: {  	s29 =	rddreg [dreg:$0x9];
	[sflag:s19] =	ssyncadd.s32 $0xFFFFE700  }
0x45: {  	[spmem:s29] =	stream.linear.scatter [tilespmem:s13], [sflag:$0xB], $0x1680, $0x38;
	[tilespmem:$0x1ADB0] =	vst v63  }
0x46: {  	_ =	swait.ge [sflag:s19], $0x1680  }
0x47: {  	[sflag:s19] =	ssyncset.done $0x0  }
0x48: {  	[sflag:s19] =	ssyncadd.s32 $0xFFFFE980  }
0x49: {  	[spmem:s20] =	stream.linear.scatter [tilespmem:s13], [sflag:$0xB], $0x500, $0x38;
	[tilespmem:$0x1ADB0] =	vst v63  }
0x4a: {  	_ =	swait.ge [sflag:s19], $0x500  }
0x4b: {  	[sflag:s19] =	ssyncset.done $0x0  }
0x4c: {  	[sflag:s19] =	ssyncadd.s32 $0xFFFFFB00  }
0x4d: {  	s30 =	rddreg [dreg:$0x2]  }
0x4e: {  	[tilespmem:s7], [sflag:$0xB] =	stream.linear.gather [hbm4b:s30+s7], $0x2710, $0x38;
	[tilespmem:$0x1ADB0] =	vst v63  }
0x4f: {  	_ =	swait.ge [sflag:s19], $0x2710  }
0x50: {  	[sflag:s19] =	ssyncset.done $0x0  }
0x51: {  	s1 =	simm.s32 $0x240;
	s13 =	simm.s32 $0x40;
	[sflag:s19] =	ssyncadd.s32 $0xFFFFD8F0  }
.LBB2_4:
0x52: {  	p0 =	sne.s32 s1, $0x63C0;
	[tilespmem:s13+$0x9830] =	vst v2;
	s19 =	smov.u32 s1;
	s1 =	sadd.s32 $0x140, s1  }
.Ltmp1:
0x53: {  	[tilespmem:s13+$0xB130] =	vst v2;
	(pc) =	sbr.rel @p0 .LBB2_4-.Ltmp1, $2  }
0x54: {  	_ =	sdelay $0x2  }
0x55: {  	s13 =	sshra.s32 s19, $0x2  }
0x56: {  	[tilespmem:s13+$0x9830] =	vst v2  }
0x57: {  	[tilespmem:s13+$0xB130] =	vst v2  }
0x58: {  	s1 =	simm.s32 $0x0;
	[bflag:$0x0] =	sbarrier.arrive $0xFFFF  }
.LBB2_6:
0x59: {  	s20 =	smul.u32 $0xFA0, s1  }
0x5a: {  	s13 =	rddreg [dreg:$0xb]  }
0x5b: {  	[dreg:$0x17] =	wrdreg s1;
	s29 =	sadd.s32 s13, s20  }
0x5c: {  	s21 =	rddreg [dreg:$0x7];
	s19 =	simm.s32 $0x2710;
	s1 =	sshrl.u32 s29, $0x3  }
0x5d: {  	s22 =	simm.s32 $0xB;
	s20 =	simm.s32 $0x0;
	s13 =	sadd.s32 s21, s1  }
0x5e: {  	[tilespmem:s19], [sflag:$0xB] =	stream.linear.gather [hbm4b:s13+s20], $0xFA0, $0x38;
	[tilespmem:$0x1ADB0] =	vst v63  }
0x5f: {  	_ =	swait.ge [sflag:s22], $0xFA0  }
0x60: {  	[sflag:s22] =	ssyncset.done $0x0  }
0x61: {  	[sflag:s22] =	ssyncadd.s32 $0xFFFFF060  }
0x62: {  	s24 =	rddreg [dreg:$0x1]  }
0x63: {  	s28 =	simm.s32 $0x36B0;
	s1 =	sadd.s32 s24, s1  }
0x64: {  	[tilespmem:s28], [sflag:$0xB] =	stream.linear.gather [hbm4b:s1+s20], $0xFA0, $0x38;
	[tilespmem:$0x1ADB0] =	vst v63  }
0x65: {  	_ =	swait.ge [sflag:s22], $0xFA0  }
0x66: {  	[sflag:s22] =	ssyncset.done $0x0  }
0x67: {  	[sflag:s22] =	ssyncadd.s32 $0xFFFFF060  }
0x68: {  	v3 =	vld [tilespmem:$0x2710]  }
0x69: {  	v4 =	vld [tilespmem:$0x2720]  }
0x6a: {  	v5 =	vld [tilespmem:$0x2730]  }
0x6b: {  	v6 =	vld [tilespmem:$0x2740]  }
0x6c: {  	v7 =	vld [tilespmem:$0x2750]  }
0x6d: {  	[tilespmem:$0x4650] =	vst v3  }
0x6e: {  	[tilespmem:$0x4660] =	vst v4  }
0x6f: {  	s24 =	sshll.u32 s29, $0x7;
	[tilespmem:$0x4670] =	vst v5  }
0x70: {  	s1 =	sor.u32 s15, s24;
	[tilespmem:$0x4680] =	vst v6  }
0x71: {  	s21 =	simm.s32 $0x4650;
	s1 =	sshrl.u32 s1, $0x3;
	s22 =	simm.s32 $0x4830;
	[tilespmem:$0x4690] =	vst v7  }
0x72: {  	[tilespmem:s22], [sflag:$0x1] =	stream.indirect.gather [hbm4b:s14+s31], $0x40, s21, s31, $0xb8;
	[tilespmem:$0x1ADB0] =	vst v63  }
0x73: {  	s30 =	simm.s32 $0x0;
	s28 =	simm.s32 $0x7030;
	s1 =	sadd.s32 s8, s1  }
0x74: {  	[tilespmem:s28], [sflag:$0x3] =	stream.strided.gather [hbm4b:s1+s6], $0x1400, s11, s6, $0x38;
	[tilespmem:$0x1ADB0] =	vst v63  }
.LBB2_7:
0x75: {  	_ =	swait.ge [sflag:s17], $0x1400  }
0x76: {  	[sflag:s17] =	ssyncset.done $0x0  }
0x77: {  	[sflag:s17] =	ssyncadd.s32 $0xFFFFEC00  }
0x78: {  	_ =	swait.ge [sflag:s18], $0x1400  }
0x79: {  	s13 =	smul.u32 $0xA0, s30;
	[sflag:s18] =	ssyncset.done $0x0  }
0x7a: {  	[sflag:s18] =	ssyncadd.s32 $0xFFFFEC00  }
0x7b: {  	v3 =	vld [tilespmem:s13+$0x2760];
	_ =	sdelay $0x4  }
0x7c: {  	[tilespmem:$0x46A0] =	vst v3  }
0x7d: {  	v3 =	vld [tilespmem:s13+$0x2770];
	_ =	sdelay $0x4  }
0x7e: {  	[tilespmem:$0x46B0] =	vst v3  }
0x7f: {  	v3 =	vld [tilespmem:s13+$0x2780];
	_ =	sdelay $0x4  }
0x80: {  	[tilespmem:$0x46C0] =	vst v3  }
0x81: {  	v3 =	vld [tilespmem:s13+$0x2790];
	_ =	sdelay $0x4  }
0x82: {  	[tilespmem:$0x46D0] =	vst v3  }
0x83: {  	v3 =	vld [tilespmem:s13+$0x27A0];
	_ =	sdelay $0x3  }
0x84: {  	s28 =	sadd.s32 $0x50, s13  }
0x85: {  	s1 =	simm.s32 $0x46A0;
	s19 =	simm.s32 $0x5C30;
	s21 =	sadd.s32 s29, s28;
	[tilespmem:$0x46E0] =	vst v3  }
0x86: {  	[tilespmem:s19], [sflag:$0x2] =	stream.indirect.gather [hbm4b:s14+s31], $0x40, s1, s31, $0xb8;
	[tilespmem:$0x1ADB0] =	vst v63  }
0x87: {  	s1 =	sshll.u32 s21, $0x7  }
0x88: {  	s1 =	sor.u32 s15, s1  }
0x89: {  	p0 =	seq.s32 s30, $0x0;
	s1 =	sshrl.u32 s1, $0x3  }
0x8a: {  	s20 =	simm.s32 $0x8430;
	s19 =	simm.s32 @!p0 $0x5;
	s22 =	sadd.s32 s8, s1  }
0x8b: {  	[tilespmem:s20], [sflag:$0x4] =	stream.strided.gather [hbm4b:s22+s6], $0x1400, s11, s6, $0x38;
	[tilespmem:$0x1ADB0] =	vst v63  }
0x8c: {  	_ =	swait.ge @!p0 [sflag:s19], $0x1400  }
0x8d: {  	[sflag:s19] =	ssyncset.done @!p0 $0x0  }
0x8e: {  	[sflag:s19] =	ssyncadd.s32 @!p0 $0xFFFFEC00;
	s19 =	simm.s32 @!p0 $0x7  }
0x8f: {  	_ =	swait.ge @!p0 [sflag:s19], $0x1900  }
0x90: {  	[sflag:s19] =	ssyncset.done @!p0 $0x0  }
0x91: {  	[sflag:s19] =	ssyncadd.s32 @!p0 $0xFFFFE700;
	s19 =	simm.s32 @!p0 $0x9  }
0x92: {  	_ =	swait.ge @!p0 [sflag:s19], $0x1900  }
0x93: {  	[sflag:s19] =	ssyncset.done @!p0 $0x0  }
0x94: {  	[sflag:s19] =	ssyncadd.s32 @!p0 $0xFFFFE700  }
0x95: {  	v3 =	vld [tilespmem:$0x4650];
	_ =	sdelay $0x1  }
0x96: {  	v4 =	vld [tilespmem:s13+$0x36B0];
	_ =	sdelay $0x4  }
0x97: {  	s24 =	simm.s32 $0x0;
	[tilespmem:$0x46F0] =	vst v4  }
0x98: {  	v3 =	vld.idx.msk [tilespmem:v3+s24+$0x0], $0xffff;
	_ =	sdelay $0x4  }
0x99: {  	v4 =	vld [tilespmem:$0x4660];
	v3 =	vadd.s32 v1, v3  }
0x9a: {  	[tilespmem:$0x4790] =	vst v3  }
0x9b: {  	v3 =	vld [tilespmem:s13+$0x36C0];
	_ =	sdelay $0x4  }
0x9c: {  	[tilespmem:$0x4700] =	vst v3  }
0x9d: {  	v3 =	vld.idx.msk [tilespmem:v4+s24+$0x0], $0xffff;
	_ =	sdelay $0x4  }
0x9e: {  	v4 =	vld [tilespmem:$0x4670];
	v3 =	vadd.s32 v1, v3  }
0x9f: {  	[tilespmem:$0x47A0] =	vst v3  }
0xa0: {  	v3 =	vld [tilespmem:s13+$0x36D0];
	_ =	sdelay $0x4  }
0xa1: {  	[tilespmem:$0x4710] =	vst v3  }
0xa2: {  	v3 =	vld.idx.msk [tilespmem:v4+s24+$0x0], $0xffff;
	_ =	sdelay $0x4  }
0xa3: {  	v4 =	vld [tilespmem:$0x4680];
	v3 =	vadd.s32 v1, v3  }
0xa4: {  	[tilespmem:$0x47B0] =	vst v3  }
0xa5: {  	v3 =	vld [tilespmem:s13+$0x36E0];
	_ =	sdelay $0x4  }
0xa6: {  	[tilespmem:$0x4720] =	vst v3  }
0xa7: {  	v3 =	vld.idx.msk [tilespmem:v4+s24+$0x0], $0xffff;
	_ =	sdelay $0x4  }
0xa8: {  	v4 =	vld [tilespmem:$0x4690];
	v3 =	vadd.s32 v1, v3  }
0xa9: {  	[tilespmem:$0x47C0] =	vst v3  }
0xaa: {  	v3 =	vld [tilespmem:s13+$0x36F0];
	_ =	sdelay $0x4  }
0xab: {  	[tilespmem:$0x4730] =	vst v3  }
0xac: {  	v3 =	vld.idx.msk [tilespmem:v4+s24+$0x0], $0xffff;
	_ =	sdelay $0x4  }
0xad: {  	v3 =	vadd.s32 v1, v3  }
0xae: {  	s20 =	simm.s32 $0x0;
	[tilespmem:$0x47D0] =	vst v3  }
0xaf: {  	v3 =	vld [tilespmem:s20+$0x4830]  }
0xb0: {  	v4 =	vld [tilespmem:s20+$0x7030];
	_ =	sdelay $0x4  }
0xb1: {  	v3 =	vadd.f32 v4, v3;
	_ =	sdelay $0x1  }
0xb2: {  	s19 =	simm.s32 $0x9880;
	v3 =	vmax.f32 v3, $0.0e+00  }
0xb3: {  	[tilespmem:s19+$0xFFFFFFB0] =	vst v3  }
0xb4: {  	v3 =	vld [tilespmem:s20+$0x4840]  }
0xb5: {  	v4 =	vld [tilespmem:s20+$0x7040];
	_ =	sdelay $0x4  }
0xb6: {  	v3 =	vadd.f32 v4, v3;
	_ =	sdelay $0x1  }
0xb7: {  	v3 =	vmax.f32 v3, $0.0e+00  }
0xb8: {  	[tilespmem:s19+$0xFFFFFFC0] =	vst v3  }
0xb9: {  	v3 =	vld [tilespmem:s20+$0x4850]  }
0xba: {  	v4 =	vld [tilespmem:s20+$0x7050];
	_ =	sdelay $0x4  }
0xbb: {  	v3 =	vadd.f32 v4, v3;
	_ =	sdelay $0x1  }
0xbc: {  	v3 =	vmax.f32 v3, $0.0e+00  }
0xbd: {  	[tilespmem:s19+$0xFFFFFFD0] =	vst v3  }
0xbe: {  	v3 =	vld [tilespmem:s20+$0x4860]  }
0xbf: {  	v4 =	vld [tilespmem:s20+$0x7060];
	_ =	sdelay $0x4  }
0xc0: {  	v3 =	vadd.f32 v4, v3;
	_ =	sdelay $0x1  }
0xc1: {  	v3 =	vmax.f32 v3, $0.0e+00  }
0xc2: {  	[tilespmem:s19+$0xFFFFFFE0] =	vst v3  }
0xc3: {  	v3 =	vld [tilespmem:s20+$0x4870]  }
0xc4: {  	v4 =	vld [tilespmem:s20+$0x7070];
	_ =	sdelay $0x4  }
0xc5: {  	v3 =	vadd.f32 v4, v3;
	_ =	sdelay $0x1  }
0xc6: {  	v3 =	vmax.f32 v3, $0.0e+00  }
0xc7: {  	[tilespmem:s19+$0x0] =	vst v3  }
0xc8: {  	v3 =	vld [tilespmem:s20+$0x4880]  }
0xc9: {  	v4 =	vld [tilespmem:s20+$0x7080];
	_ =	sdelay $0x4  }
0xca: {  	v3 =	vadd.f32 v4, v3;
	_ =	sdelay $0x1  }
0xcb: {  	v3 =	vmax.f32 v3, $0.0e+00  }
0xcc: {  	[tilespmem:s19+$0x10] =	vst v3  }
0xcd: {  	v3 =	vld [tilespmem:s20+$0x4890]  }
0xce: {  	v4 =	vld [tilespmem:s20+$0x7090];
	_ =	sdelay $0x4  }
0xcf: {  	v3 =	vadd.f32 v4, v3;
	_ =	sdelay $0x1  }
0xd0: {  	v3 =	vmax.f32 v3, $0.0e+00  }
0xd1: {  	[tilespmem:s19+$0x20] =	vst v3  }
0xd2: {  	s21 =	simm.s32 $0x9880;
	s22 =	sadd.s32 s29, s13;
	s24 =	simm.s32 $0x200;
	v3 =	vld [tilespmem:s20+$0x48A0]  }
.LBB2_8:
0xd3: {  	p0 =	sne.s32 s24, $0x4E00  }
0xd4: {  	v4 =	vld [tilespmem:s20+$0x70A0];
	s19 =	sadd.s32 $0xA0, s19;
	s20 =	smov.u32 s24;
	s24 =	sadd.s32 $0x200, s24  }
0xd5: {  	_ =	sdelay $0x3  }
0xd6: {  	v3 =	vadd.f32 v4, v3;
	_ =	sdelay $0x1  }
0xd7: {  	v3 =	vmax.f32 v3, $0.0e+00  }
0xd8: {  	s20 =	sshra.s32 s20, $0x2;
	[tilespmem:s21+$0x30] =	vst v3;
	s21 =	smov.u32 s19  }
0xd9: {  	v3 =	vld [tilespmem:s20+$0x4830]  }
0xda: {  	v4 =	vld [tilespmem:s20+$0x7030];
	_ =	sdelay $0x4  }
0xdb: {  	v3 =	vadd.f32 v4, v3;
	_ =	sdelay $0x1  }
0xdc: {  	v3 =	vmax.f32 v3, $0.0e+00  }
0xdd: {  	[tilespmem:s19+$0xFFFFFFB0] =	vst v3  }
0xde: {  	v3 =	vld [tilespmem:s20+$0x4840]  }
0xdf: {  	v4 =	vld [tilespmem:s20+$0x7040];
	_ =	sdelay $0x4  }
0xe0: {  	v3 =	vadd.f32 v4, v3;
	_ =	sdelay $0x1  }
0xe1: {  	v3 =	vmax.f32 v3, $0.0e+00  }
0xe2: {  	[tilespmem:s19+$0xFFFFFFC0] =	vst v3  }
0xe3: {  	v3 =	vld [tilespmem:s20+$0x4850]  }
0xe4: {  	v4 =	vld [tilespmem:s20+$0x7050];
	_ =	sdelay $0x4  }
0xe5: {  	v3 =	vadd.f32 v4, v3;
	_ =	sdelay $0x1  }
0xe6: {  	v3 =	vmax.f32 v3, $0.0e+00  }
0xe7: {  	[tilespmem:s19+$0xFFFFFFD0] =	vst v3  }
0xe8: {  	v3 =	vld [tilespmem:s20+$0x4860]  }
0xe9: {  	v4 =	vld [tilespmem:s20+$0x7060];
	_ =	sdelay $0x4  }
0xea: {  	v3 =	vadd.f32 v4, v3;
	_ =	sdelay $0x1  }
0xeb: {  	v3 =	vmax.f32 v3, $0.0e+00  }
0xec: {  	[tilespmem:s19+$0xFFFFFFE0] =	vst v3  }
0xed: {  	v3 =	vld [tilespmem:s20+$0x4870]  }
0xee: {  	v4 =	vld [tilespmem:s20+$0x7070];
	_ =	sdelay $0x4  }
0xef: {  	v3 =	vadd.f32 v4, v3;
	_ =	sdelay $0x1  }
0xf0: {  	v3 =	vmax.f32 v3, $0.0e+00  }
0xf1: {  	[tilespmem:s19+$0x0] =	vst v3  }
0xf2: {  	v3 =	vld [tilespmem:s20+$0x4880]  }
0xf3: {  	v4 =	vld [tilespmem:s20+$0x7080];
	_ =	sdelay $0x4  }
0xf4: {  	v3 =	vadd.f32 v4, v3;
	_ =	sdelay $0x1  }
0xf5: {  	v3 =	vmax.f32 v3, $0.0e+00  }
0xf6: {  	[tilespmem:s19+$0x10] =	vst v3  }
0xf7: {  	v3 =	vld [tilespmem:s20+$0x4890]  }
0xf8: {  	v4 =	vld [tilespmem:s20+$0x7090];
	_ =	sdelay $0x4  }
.Ltmp2:
0xf9: {  	v3 =	vadd.f32 v4, v3;
	(pc) =	sbr.rel @p0 .LBB2_8-.Ltmp2, $4  }
0xfa: {  	_ = 	snop  }
0xfb: {  	v3 =	vmax.f32 v3, $0.0e+00  }
0xfc: {  	[tilespmem:s19+$0x20] =	vst v3  }
0xfd: {  	v3 =	vld [tilespmem:s20+$0x48A0]  }
0xfe: {  	v4 =	vld [tilespmem:s20+$0x70A0];
	_ =	sdelay $0x3  }
0xff: {  	s19 =	sshll.u32 s22, $0x7  }
0x100: {  	s19 =	sor.u32 s15, s19;
	v3 =	vadd.f32 v4, v3  }
0x101: {  	s19 =	sshrl.u32 s19, $0x3  }
0x102: {  	s20 =	simm.s32 $0x9830;
	s19 =	sadd.s32 s3, s19;
	v3 =	vmax.f32 v3, $0.0e+00  }
0x103: {  	s22 =	simm.s32 $0x9880;
	s24 =	sadd.s32 $0x0, s19;
	[tilespmem:s21+$0x30] =	vst v3;
	s21 =	simm.s32 $0x10  }
.LBB2_10:
0x104: {  	[hbm4b:s24+s7] =	stream.linear.scatter [tilespmem:s20], [sflag:$0x5], $0x40, $0x38;
	[tilespmem:$0x1ADB0] =	vst v63  }
0x105: {  	s24 =	smov.u32 s21;
	s20 =	smov.u32 s22;
	p0 =	sne.s32 s21, $0x4F0  }
.Ltmp3:
0x106: {  	s21 =	sadd.s32 $0x10, s21;
	(pc) =	sbr.rel @p0 .LBB2_10-.Ltmp3, $2  }
0x107: {  	_ =	sdelay $0x2  }
0x108: {  	s22 =	sadd.s32 $0x50, s22;
	s24 =	sadd.s32 s24, s19  }
0x109: {  	[hbm4b:s24+s7] =	stream.linear.scatter [tilespmem:s20], [sflag:$0x5], $0x40, $0x38;
	[tilespmem:$0x1ADB0] =	vst v63  }
0x10a: {  	s19 =	simm.s32 $0x46F0  }
0x10b: {  	[spmem:s4] =	stream.indirect.scatter.add.f32 [tilespmem:s23], [sflag:$0x7], $0x50, s19, s31, $0xb8;
	[tilespmem:$0x1ADB0] =	vst v63  }
0x10c: {  	s22 =	simm.s32 $0x4790  }
0x10d: {  	[spmem:s5] =	stream.indirect.scatter.add.f32 [tilespmem:s23], [sflag:$0x9], $0x50, s22, s31, $0xb8;
	[tilespmem:$0x1ADB0] =	vst v63  }
0x10e: {  	_ =	swait.ge [sflag:s25], $0x1400  }
0x10f: {  	[sflag:s25] =	ssyncset.done $0x0  }
0x110: {  	[sflag:s25] =	ssyncadd.s32 $0xFFFFEC00  }
0x111: {  	_ =	swait.ge [sflag:s10], $0x1400  }
0x112: {  	[sflag:s10] =	ssyncset.done $0x0  }
0x113: {  	p0 =	seq.s32 s30, $0x18;
	[sflag:s10] =	ssyncadd.s32 $0xFFFFEC00  }
0x114: {  	v3 =	vld @!p0 [tilespmem:s13+$0x27B0];
	_ =	sdelay $0x4  }
0x115: {  	[tilespmem:$0x4650] =	vst @!p0 v3  }
0x116: {  	v3 =	vld @!p0 [tilespmem:s13+$0x27C0];
	_ =	sdelay $0x4  }
0x117: {  	[tilespmem:$0x4660] =	vst @!p0 v3  }
0x118: {  	v3 =	vld @!p0 [tilespmem:s13+$0x27D0];
	_ =	sdelay $0x4  }
0x119: {  	[tilespmem:$0x4670] =	vst @!p0 v3  }
0x11a: {  	v3 =	vld @!p0 [tilespmem:s13+$0x27E0];
	_ =	sdelay $0x4  }
0x11b: {  	[tilespmem:$0x4680] =	vst @!p0 v3  }
0x11c: {  	v3 =	vld @!p0 [tilespmem:s13+$0x27F0];
	s13 =	sadd.s32 @!p0 s29, s13  }
0x11d: {  	s13 =	sshll.u32 @!p0 s13, $0x7  }
0x11e: {  	s13 =	sor.u32 @!p0 s15, s13  }
0x11f: {  	s13 =	sadd.s32 @!p0 $0x5000, s13  }
0x120: {  	s20 =	simm.s32 @!p0 $0x4650;
	s21 =	simm.s32 @!p0 $0x4830;
	s13 =	sshrl.u32 @!p0 s13, $0x3  }
0x121: {  	p1 =	seq.s32 @!p0 s30, $0x0;
	s19 =	simm.s32 @!p0 $0x50;
	[tilespmem:$0x4690] =	vst @!p0 v3;
	s13 =	sadd.s32 @!p0 s8, s13  }
0x122: {  	[tilespmem:s21], [sflag:$0x1] =	stream.indirect.gather @!p0 [hbm4b:s14+s19], $0x40, s20, s19, $0xb8;
	[tilespmem:$0x1ADB0] =	vst v63  }
0x123: {  	s19 =	simm.s32 @!p0 $0x40;
	s20 =	simm.s32 @!p0 $0x80;
	s21 =	simm.s32 @!p0 $0x7030  }
0x124: {  	[tilespmem:s21], [sflag:$0x3] =	stream.strided.gather @!p0 [hbm4b:s13+s19], $0x1400, s20, s19, $0x38;
	[tilespmem:$0x1ADB0] =	vst v63  }
0x125: {  	p0 =	por p0, !p1  }
0x126: {  	_ =	swait.ge @p0 [sflag:s2], $0x1400  }
0x127: {  	[sflag:s2] =	ssyncset.done @p0 $0x0  }
0x128: {  	[sflag:s2] =	ssyncadd.s32 @p0 $0xFFFFEC00  }
0x129: {  	_ =	swait.ge @p0 [sflag:s16], $0x1900  }
0x12a: {  	[sflag:s16] =	ssyncset.done @p0 $0x0  }
0x12b: {  	[sflag:s16] =	ssyncadd.s32 @p0 $0xFFFFE700  }
0x12c: {  	_ =	swait.ge @p0 [sflag:s9], $0x1900  }
0x12d: {  	[sflag:s9] =	ssyncset.done @p0 $0x0  }
0x12e: {  	[sflag:s9] =	ssyncadd.s32 @p0 $0xFFFFE700  }
0x12f: {  	v3 =	vld [tilespmem:$0x46A0];
	_ =	sdelay $0x1  }
0x130: {  	v4 =	vld [tilespmem:s28+$0x36B0];
	_ =	sdelay $0x4  }
0x131: {  	s24 =	simm.s32 $0x0;
	[tilespmem:$0x4740] =	vst v4  }
0x132: {  	v3 =	vld.idx.msk [tilespmem:v3+s24+$0x0], $0xffff;
	_ =	sdelay $0x4  }
0x133: {  	v4 =	vld [tilespmem:$0x46B0];
	v3 =	vadd.s32 v1, v3  }
0x134: {  	[tilespmem:$0x47E0] =	vst v3  }
0x135: {  	v3 =	vld [tilespmem:s28+$0x36C0];
	_ =	sdelay $0x4  }
0x136: {  	[tilespmem:$0x4750] =	vst v3  }
0x137: {  	v3 =	vld.idx.msk [tilespmem:v4+s24+$0x0], $0xffff;
	_ =	sdelay $0x4  }
0x138: {  	v4 =	vld [tilespmem:$0x46C0];
	v3 =	vadd.s32 v1, v3  }
0x139: {  	[tilespmem:$0x47F0] =	vst v3  }
0x13a: {  	v3 =	vld [tilespmem:s28+$0x36D0];
	_ =	sdelay $0x4  }
0x13b: {  	[tilespmem:$0x4760] =	vst v3  }
0x13c: {  	v3 =	vld.idx.msk [tilespmem:v4+s24+$0x0], $0xffff;
	_ =	sdelay $0x4  }
0x13d: {  	v4 =	vld [tilespmem:$0x46D0];
	v3 =	vadd.s32 v1, v3  }
0x13e: {  	[tilespmem:$0x4800] =	vst v3  }
0x13f: {  	v3 =	vld [tilespmem:s28+$0x36E0];
	_ =	sdelay $0x4  }
0x140: {  	[tilespmem:$0x4770] =	vst v3  }
0x141: {  	v3 =	vld.idx.msk [tilespmem:v4+s24+$0x0], $0xffff;
	_ =	sdelay $0x4  }
0x142: {  	v4 =	vld [tilespmem:$0x46E0];
	v3 =	vadd.s32 v1, v3  }
0x143: {  	[tilespmem:$0x4810] =	vst v3  }
0x144: {  	v3 =	vld [tilespmem:s28+$0x36F0];
	_ =	sdelay $0x4  }
0x145: {  	[tilespmem:$0x4780] =	vst v3  }
0x146: {  	v3 =	vld.idx.msk [tilespmem:v4+s24+$0x0], $0xffff;
	_ =	sdelay $0x4  }
0x147: {  	v3 =	vadd.s32 v1, v3  }
0x148: {  	s19 =	simm.s32 $0x0;
	[tilespmem:$0x4820] =	vst v3  }
0x149: {  	v3 =	vld [tilespmem:s19+$0x5C30]  }
0x14a: {  	v4 =	vld [tilespmem:s19+$0x8430];
	_ =	sdelay $0x4  }
0x14b: {  	v3 =	vadd.f32 v4, v3;
	_ =	sdelay $0x1  }
0x14c: {  	s13 =	simm.s32 $0xB180;
	v3 =	vmax.f32 v3, $0.0e+00  }
0x14d: {  	[tilespmem:s13+$0xFFFFFFB0] =	vst v3  }
0x14e: {  	v3 =	vld [tilespmem:s19+$0x5C40]  }
0x14f: {  	v4 =	vld [tilespmem:s19+$0x8440];
	_ =	sdelay $0x4  }
0x150: {  	v3 =	vadd.f32 v4, v3;
	_ =	sdelay $0x1  }
0x151: {  	v3 =	vmax.f32 v3, $0.0e+00  }
0x152: {  	[tilespmem:s13+$0xFFFFFFC0] =	vst v3  }
0x153: {  	v3 =	vld [tilespmem:s19+$0x5C50]  }
0x154: {  	v4 =	vld [tilespmem:s19+$0x8450];
	_ =	sdelay $0x4  }
0x155: {  	v3 =	vadd.f32 v4, v3;
	_ =	sdelay $0x1  }
0x156: {  	v3 =	vmax.f32 v3, $0.0e+00  }
0x157: {  	[tilespmem:s13+$0xFFFFFFD0] =	vst v3  }
0x158: {  	v3 =	vld [tilespmem:s19+$0x5C60]  }
0x159: {  	v4 =	vld [tilespmem:s19+$0x8460];
	_ =	sdelay $0x4  }
0x15a: {  	v3 =	vadd.f32 v4, v3;
	_ =	sdelay $0x1  }
0x15b: {  	v3 =	vmax.f32 v3, $0.0e+00  }
0x15c: {  	[tilespmem:s13+$0xFFFFFFE0] =	vst v3  }
0x15d: {  	v3 =	vld [tilespmem:s19+$0x5C70]  }
0x15e: {  	v4 =	vld [tilespmem:s19+$0x8470];
	_ =	sdelay $0x4  }
0x15f: {  	v3 =	vadd.f32 v4, v3;
	_ =	sdelay $0x1  }
0x160: {  	v3 =	vmax.f32 v3, $0.0e+00  }
0x161: {  	[tilespmem:s13+$0x0] =	vst v3  }
0x162: {  	v3 =	vld [tilespmem:s19+$0x5C80]  }
0x163: {  	v4 =	vld [tilespmem:s19+$0x8480];
	_ =	sdelay $0x4  }
0x164: {  	v3 =	vadd.f32 v4, v3;
	_ =	sdelay $0x1  }
0x165: {  	v3 =	vmax.f32 v3, $0.0e+00  }
0x166: {  	[tilespmem:s13+$0x10] =	vst v3  }
0x167: {  	v3 =	vld [tilespmem:s19+$0x5C90]  }
0x168: {  	v4 =	vld [tilespmem:s19+$0x8490];
	_ =	sdelay $0x4  }
0x169: {  	v3 =	vadd.f32 v4, v3;
	_ =	sdelay $0x1  }
0x16a: {  	v3 =	vmax.f32 v3, $0.0e+00  }
0x16b: {  	[tilespmem:s13+$0x20] =	vst v3  }
0x16c: {  	s21 =	simm.s32 $0x200;
	s20 =	simm.s32 $0xB180;
	v3 =	vld [tilespmem:s19+$0x5CA0]  }
.LBB2_12:
0x16d: {  	p0 =	sne.s32 s21, $0x4E00  }
0x16e: {  	v4 =	vld [tilespmem:s19+$0x84A0];
	s13 =	sadd.s32 $0xA0, s13;
	s19 =	smov.u32 s21;
	s21 =	sadd.s32 $0x200, s21  }
0x16f: {  	_ =	sdelay $0x3  }
0x170: {  	v3 =	vadd.f32 v4, v3;
	_ =	sdelay $0x1  }
0x171: {  	v3 =	vmax.f32 v3, $0.0e+00  }
0x172: {  	s19 =	sshra.s32 s19, $0x2;
	[tilespmem:s20+$0x30] =	vst v3;
	s20 =	smov.u32 s13  }
0x173: {  	v3 =	vld [tilespmem:s19+$0x5C30]  }
0x174: {  	v4 =	vld [tilespmem:s19+$0x8430];
	_ =	sdelay $0x4  }
0x175: {  	v3 =	vadd.f32 v4, v3;
	_ =	sdelay $0x1  }
0x176: {  	v3 =	vmax.f32 v3, $0.0e+00  }
0x177: {  	[tilespmem:s13+$0xFFFFFFB0] =	vst v3  }
0x178: {  	v3 =	vld [tilespmem:s19+$0x5C40]  }
0x179: {  	v4 =	vld [tilespmem:s19+$0x8440];
	_ =	sdelay $0x4  }
0x17a: {  	v3 =	vadd.f32 v4, v3;
	_ =	sdelay $0x1  }
0x17b: {  	v3 =	vmax.f32 v3, $0.0e+00  }
0x17c: {  	[tilespmem:s13+$0xFFFFFFC0] =	vst v3  }
0x17d: {  	v3 =	vld [tilespmem:s19+$0x5C50]  }
0x17e: {  	v4 =	vld [tilespmem:s19+$0x8450];
	_ =	sdelay $0x4  }
0x17f: {  	v3 =	vadd.f32 v4, v3;
	_ =	sdelay $0x1  }
0x180: {  	v3 =	vmax.f32 v3, $0.0e+00  }
0x181: {  	[tilespmem:s13+$0xFFFFFFD0] =	vst v3  }
0x182: {  	v3 =	vld [tilespmem:s19+$0x5C60]  }
0x183: {  	v4 =	vld [tilespmem:s19+$0x8460];
	_ =	sdelay $0x4  }
0x184: {  	v3 =	vadd.f32 v4, v3;
	_ =	sdelay $0x1  }
0x185: {  	v3 =	vmax.f32 v3, $0.0e+00  }
0x186: {  	[tilespmem:s13+$0xFFFFFFE0] =	vst v3  }
0x187: {  	v3 =	vld [tilespmem:s19+$0x5C70]  }
0x188: {  	v4 =	vld [tilespmem:s19+$0x8470];
	_ =	sdelay $0x4  }
0x189: {  	v3 =	vadd.f32 v4, v3;
	_ =	sdelay $0x1  }
0x18a: {  	v3 =	vmax.f32 v3, $0.0e+00  }
0x18b: {  	[tilespmem:s13+$0x0] =	vst v3  }
0x18c: {  	v3 =	vld [tilespmem:s19+$0x5C80]  }
0x18d: {  	v4 =	vld [tilespmem:s19+$0x8480];
	_ =	sdelay $0x4  }
0x18e: {  	v3 =	vadd.f32 v4, v3;
	_ =	sdelay $0x1  }
0x18f: {  	v3 =	vmax.f32 v3, $0.0e+00  }
0x190: {  	[tilespmem:s13+$0x10] =	vst v3  }
0x191: {  	v3 =	vld [tilespmem:s19+$0x5C90]  }
0x192: {  	v4 =	vld [tilespmem:s19+$0x8490];
	_ =	sdelay $0x4  }
.Ltmp4:
0x193: {  	v3 =	vadd.f32 v4, v3;
	(pc) =	sbr.rel @p0 .LBB2_12-.Ltmp4, $4  }
0x194: {  	_ = 	snop  }
0x195: {  	v3 =	vmax.f32 v3, $0.0e+00  }
0x196: {  	[tilespmem:s13+$0x20] =	vst v3  }
0x197: {  	v3 =	vld [tilespmem:s19+$0x5CA0]  }
0x198: {  	v4 =	vld [tilespmem:s19+$0x84A0];
	_ =	sdelay $0x4  }
0x199: {  	v3 =	vadd.f32 v4, v3;
	_ =	sdelay $0x1  }
0x19a: {  	s1 =	sadd.s32 s3, s1;
	s13 =	simm.s32 $0xB130;
	v3 =	vmax.f32 v3, $0.0e+00  }
0x19b: {  	s19 =	simm.s32 $0x10;
	s21 =	sadd.s32 $0x0, s1;
	[tilespmem:s20+$0x30] =	vst v3;
	s20 =	simm.s32 $0xB180  }
.LBB2_14:
0x19c: {  	[hbm4b:s21+s7] =	stream.linear.scatter [tilespmem:s13], [sflag:$0x6], $0x40, $0x38;
	[tilespmem:$0x1ADB0] =	vst v63  }
0x19d: {  	s21 =	smov.u32 s19;
	s13 =	smov.u32 s20;
	p0 =	sne.s32 s19, $0x4F0  }
.Ltmp5:
0x19e: {  	s19 =	sadd.s32 $0x10, s19;
	(pc) =	sbr.rel @p0 .LBB2_14-.Ltmp5, $2  }
0x19f: {  	_ =	sdelay $0x2  }
0x1a0: {  	s20 =	sadd.s32 $0x50, s20;
	s21 =	sadd.s32 s21, s1  }
0x1a1: {  	[hbm4b:s21+s7] =	stream.linear.scatter [tilespmem:s13], [sflag:$0x6], $0x40, $0x38;
	[tilespmem:$0x1ADB0] =	vst v63  }
0x1a2: {  	s30 =	sadd.s32 $0x1, s30  }
0x1a3: {  	p0 =	sne.s32 s30, $0x19  }
.Ltmp6:
0x1a4: {  	_ = 	snop;
	(pc) =	sbr.rel @p0 .LBB2_7-.Ltmp6, $4  }
0x1a5: {  	_ = 	snop  }
0x1a6: {  	[spmem:s4] =	stream.indirect.scatter.add.f32 [tilespmem:s26], [sflag:$0x8], $0x50, s12, s31, $0xb8;
	[tilespmem:$0x1ADB0] =	vst v63  }
0x1a7: {  	_ = 	snop  }
0x1a8: {  	[spmem:s5] =	stream.indirect.scatter.add.f32 [tilespmem:s26], [sflag:$0xA], $0x50, s0, s31, $0xb8;
	[tilespmem:$0x1ADB0] =	vst v63  }
0x1a9: {  	s1 =	simm.s32 $0x5  }
0x1aa: {  	_ =	swait.ge [sflag:s1], $0x1400  }
0x1ab: {  	[sflag:s1] =	ssyncset.done $0x0  }
0x1ac: {  	s28 =	simm.s32 $0x7;
	[sflag:s1] =	ssyncadd.s32 $0xFFFFEC00  }
0x1ad: {  	_ =	swait.ge [sflag:s28], $0x1900  }
0x1ae: {  	[sflag:s28] =	ssyncset.done $0x0  }
0x1af: {  	s29 =	simm.s32 $0x9;
	[sflag:s28] =	ssyncadd.s32 $0xFFFFE700  }
0x1b0: {  	_ =	swait.ge [sflag:s29], $0x1900  }
0x1b1: {  	[sflag:s29] =	ssyncset.done $0x0  }
0x1b2: {  	[sflag:s29] =	ssyncadd.s32 $0xFFFFE700  }
0x1b3: {  	_ =	swait.ge [sflag:s2], $0x1400  }
0x1b4: {  	[sflag:s2] =	ssyncset.done $0x0  }
0x1b5: {  	[sflag:s2] =	ssyncadd.s32 $0xFFFFEC00  }
0x1b6: {  	_ =	swait.ge [sflag:s16], $0x1900  }
0x1b7: {  	[sflag:s16] =	ssyncset.done $0x0  }
0x1b8: {  	[sflag:s16] =	ssyncadd.s32 $0xFFFFE700  }
0x1b9: {  	_ =	swait.ge [sflag:s9], $0x1900  }
0x1ba: {  	s30 =	rddreg [dreg:$0x17]  }
0x1bb: {  	s1 =	sadd.s32 $0x1, s30  }
0x1bc: {  	p0 =	sne.s32 s1, $0x5  }
.Ltmp7:
0x1bd: {  	_ = 	snop;
	(pc) =	sbr.rel @p0 .LBB2_6-.Ltmp7, $3  }
0x1be: {  	_ =	sdelay $0x1  }
0x1bf: {  	[sflag:s9] =	ssyncset.done $0x0  }
0x1c0: {  	[sflag:s9] =	ssyncadd.s32 $0xFFFFE700  }
0x1c1: {  	s1 =	stileid.u32;
	[bflag:$0x0] =	sbarrier.arrive $0xFFFF  }
0x1c2: {  	s1 =	sshll.u32 s1, $0x6;
	s13 =	rddreg [dreg:$0xc]  }
0x1c3: {  	s21 =	simm.s32 $0xB;
	s19 =	rddreg [dreg:$0x14];
	s1 =	sor.u32 $0x1C0B, s1  }
0x1c4: {  	[hbm:s13], [sflag:s1] =	dma.local [spmem:s19], $0x18B0  }
0x1c5: {  	_ =	swait.ge [sflag:s21], $0x18B0  }
0x1c6: {  	[sflag:s21] =	ssyncset.done $0x0;
	s20 =	rddreg [dreg:$0xa]  }
0x1c7: {  	s28 =	rddreg [dreg:$0xd];
	[sflag:s21] =	ssyncadd.s32 $0xFFFFE750;
	s24 =	sshrl.u32 s20, $0x3  }
0x1c8: {  	[hbm:s28], [sflag:s1] =	dma.local [spmem:s24], $0xA0  }
0x1c9: {  	_ =	swait.ge [sflag:s21], $0xA0  }
0x1ca: {  	s29 =	rddreg [dreg:$0x16]  }
0x1cb: {  	s30 =	rddreg [dreg:$0xe];
	s13 =	sadd.s32 $0x1, s29  }
0x1cc: {  	p0 =	sne.s32 s13, s30  }
.Ltmp8:
0x1cd: {  	_ = 	snop;
	(pc) =	sbr.rel @p0 .LBB2_1-.Ltmp8, $3  }
0x1ce: {  	_ =	sdelay $0x1  }
0x1cf: {  	[sflag:s21] =	ssyncset.done $0x0  }
0x1d0: {  	[sflag:s21] =	ssyncadd.s32 $0xFFFFFF60  }
0x1d1: {  	_ =	sfence.sel $0x180000  }
0x1d2: {  	[bflag:$0x0] =	sbarrier.arrive $0xFFFF  }
0x1d3: {  	_ =	strace $0x90000047  }
0x1d4: {  	s0 =	stileid.u32;
	[bflag:$0x2] =	sbarrier.arrive $0xFFFF  }
0x1d5: {  	p0 =	sne.s32 s0, $0x0;
	s0 =	rddreg [dreg:$0x6]  }
0x1d6: {  	s0 =	sadd.s32 @!p0 $0x100000, s0  }
0x1d7: {  	[sflag:s0] =	ssyncadd.tile.s32 @!p0 $0x1;
	_ =	shalt  }
.Lfunc_end2:
_tile_overlayer_lowered:
.L_overlay_start_2:
0x1d8: {  	(tag) =	ssettag $0x2  }
0x1d9: {  	s0 =	rddreg [dreg:$0x0];
	s2 =	stileid.u32  }
0x1da: {  	s1 =	rddreg [dreg:$0x1];
	p0 =	sne.s32 s2, $0x0  }
0x1db: {  	s3 =	rddreg [dreg:$0x2];
	[bflag:$0x3] =	sbarrier.arrive $0xFFFF;
	s2 =	simm.s32 @!p0 $0x1C0B  }
0x1dc: {  	[timem:s3], [sflag:s2] =	dma.local @!p0 [hbm:s0], s1  }
0x1dd: {  	s0 =	simm.s32 @!p0 $0xB  }
0x1de: {  	_ =	swait.ge @!p0 [sflag:s0], s1  }
0x1df: {  	s1 =	ssub.s32 @!p0 $0x0, s1;
	[sflag:s0] =	ssyncset.done @!p0 $0x0  }
0x1e0: {  	[sflag:s0] =	ssyncadd.s32 @!p0 s1  }
0x1e1: {  	[bflag:$0x3] =	sbarrier.arrive $0xFFFF  }
0x1e2: {  	_ =	shalt  }

</sc_bundles>
